<compile_context>
chip_gen: v7x
topology: tpu7x:2x2x1
jax: 0.10.2.dev20260603
libtpu: 0.0.44.dev20260713+nightly
codegen_flags: <defaults>
</compile_context>

<pallas_src>
import functools

import jax
import jax.numpy as jnp
from jax import lax
from jax.experimental import pallas as pl
from jax.experimental.pallas import tpu as pltpu
from jax.experimental.pallas import tpu_sc as plsc

B, L, D = 4, 2048, 1024
SC_BATCHES = 1
TC_B = B - SC_BATCHES
NC, NS = 2, 16
NW = NC * NS
SC_ROWS = SC_BATCHES * L
ROWS_W = SC_ROWS // NW
CH = 16
CHW = CH * D
SC_BASE = TC_B * L


def _tc_body(x_ref, e_ref, o_ref):
    o_ref[...] = x_ref[...] + e_ref[...]


def _tc_add(inputs, emb3):
    BL = 512
    return pl.pallas_call(
        _tc_body,
        grid=(L // BL,),
        in_specs=[
            pl.BlockSpec((TC_B, BL, D), lambda j: (0, j, 0)),
            pl.BlockSpec((1, BL, D), lambda j: (0, j, 0)),
        ],
        out_specs=pl.BlockSpec((TC_B, BL, D), lambda j: (0, j, 0)),
        out_shape=jax.ShapeDtypeStruct((TC_B, L, D), inputs.dtype),
    )(inputs, emb3)


@functools.partial(
    pl.kernel,
    out_type=jax.ShapeDtypeStruct((SC_ROWS * D,), jnp.float32),
    mesh=plsc.VectorSubcoreMesh(core_axis_name="c", subcore_axis_name="s"),
    scratch_types=[
        pltpu.VMEM((CHW,), jnp.float32),
        pltpu.VMEM((CHW,), jnp.float32),
    ],
)
def _sc_add(in_hbm, emb_hbm, out_hbm, xbuf, ebuf):
    wid = lax.axis_index("s") * NC + lax.axis_index("c")
    rbase = wid * ROWS_W

    @pl.loop(0, ROWS_W // CH)
    def _chunk(ci):
        row = rbase + ci * CH
        pltpu.sync_copy(in_hbm.at[pl.ds((SC_BASE + row) * D, CHW)], xbuf)
        pltpu.sync_copy(emb_hbm.at[pl.ds(row * D, CHW)], ebuf)

        @pl.loop(0, CHW // 16, unroll=8)
        def _add(i):
            s = pl.ds(i * 16, 16)
            xbuf[s] = xbuf[s] + ebuf[s]

        pltpu.sync_copy(xbuf, out_hbm.at[pl.ds(row * D, CHW)])


def _tc_full(inputs, emb3, BL=256):
    return pl.pallas_call(
        _tc_body,
        grid=(L // BL,),
        in_specs=[
            pl.BlockSpec((B, BL, D), lambda j: (0, j, 0)),
            pl.BlockSpec((1, BL, D), lambda j: (0, j, 0)),
        ],
        out_specs=pl.BlockSpec((B, BL, D), lambda j: (0, j, 0)),
        out_shape=jax.ShapeDtypeStruct((B, L, D), inputs.dtype),
    )(inputs, emb3)


POS_W = L // NW
SCCH = 8
NCHUNK = POS_W // SCCH
NBUF = 3


@functools.partial(
    pl.kernel,
    out_type=jax.ShapeDtypeStruct((B, L, D), jnp.float32),
    mesh=plsc.VectorSubcoreMesh(core_axis_name="c", subcore_axis_name="s"),
    scratch_types=[
        pltpu.VMEM((NBUF, B, SCCH, D), jnp.float32),
        pltpu.VMEM((NBUF, SCCH, D), jnp.float32),
        pltpu.SemaphoreType.DMA((NBUF,)),
        pltpu.SemaphoreType.DMA((NBUF,)),
        pltpu.SemaphoreType.DMA((NBUF,)),
    ],
)
def _sc_full(in_hbm, emb_hbm, out_hbm, xbuf, ebuf, xsem, esem, osem):
    wid = lax.axis_index("s") * NC + lax.axis_index("c")
    wbase = wid * POS_W

    xd = [None] * NBUF
    ed = [None] * NBUF
    od = [None] * NBUF

    def start_in(g):
        slot = g % NBUF
        pos = wbase + g * SCCH
        ed[slot] = pltpu.async_copy(
            emb_hbm.at[pl.ds(pos, SCCH)], ebuf.at[slot], esem.at[slot])
        xd[slot] = pltpu.async_copy(
            in_hbm.at[:, pl.ds(pos, SCCH), :], xbuf.at[slot], xsem.at[slot])

    for g in range(min(NBUF - 1, NCHUNK)):
        start_in(g)

    for g in range(NCHUNK):
        slot = g % NBUF
        nxt = g + NBUF - 1
        if nxt < NCHUNK:
            nslot = nxt % NBUF
            if od[nslot] is not None:
                od[nslot].wait()
            start_in(nxt)
        ed[slot].wait()
        xd[slot].wait()

        if False:
            @pl.loop(0, SCCH)
            def _row(j):
                @pl.loop(0, D // 16, unroll=8)
                def _vec(k):
                    s = pl.ds(k * 16, 16)
                    e = ebuf[slot, j, s]
                    for b in range(B):
                        xbuf[slot, b, j, s] = xbuf[slot, b, j, s] + e

        pos = wbase + g * SCCH
        od[slot] = pltpu.async_copy(
            xbuf.at[slot], out_hbm.at[:, pl.ds(pos, SCCH), :], osem.at[slot])

    for g in range(max(0, NCHUNK - NBUF), NCHUNK):
        od[g % NBUF].wait()


def kernel(inputs, emb_table):
    return _sc_full(inputs, emb_table)

# --- scband reference (transcript-rebuilt; emitter-appended) ---
"""Pipeline reference for scband-local-position-encoding-10660108828973 (READ-ONLY COPY).

The authoritative reference and input builder live on the scoring server;
editing this copy changes nothing except your own understanding.
"""

import jax, jax.numpy as jnp
import numpy as np

LOCAL_POS_SIZE = 2048
LAYER_WIDTH = 1024

def setup_inputs(seed: int = 0) -> dict:
    key = jax.random.key(seed)
    k1, k2 = jax.random.split(key)
    inputs = jax.random.normal(k1, (4, 2048, 1024), dtype=jnp.float32)
    # Keras Embedding default init: uniform(-0.05, 0.05)
    emb_table = jax.random.uniform(k2, (LOCAL_POS_SIZE, LAYER_WIDTH), dtype=jnp.float32, minval=-0.05, maxval=0.05)
    return {"inputs": inputs, "emb_table": emb_table}

def reference(inputs, emb_table):
    # pos = tf.range(input_size); out = inputs + embedding(pos)
    input_size = inputs.shape[1]
    pos = jnp.arange(input_size, dtype=jnp.int32)
    pos_emb = jnp.take(emb_table, pos, axis=0)  # [L, width]
    return inputs + pos_emb[None, :, :]

if __name__ == "__main__":
    import jax
    _d = setup_inputs()
    print(jax.jit(kernel)(*tuple(_d.values())))

</pallas_src>

<mosaic_0001>
#map = affine_map<(d0, d1) -> (0, 0, 0)>
#map1 = affine_map<(d0, d1) -> (0, 0)>
module attributes {stable_mosaic.version = 14 : i64} {
  func.func @_sc_full(%arg0: i32, %arg1: i32, %arg2: memref<4x2048x1024xf32, #tpu.memory_space<hbm>>, %arg3: memref<2048x1024xf32, #tpu.memory_space<hbm>>, %arg4: memref<4x2048x1024xf32, #tpu.memory_space<hbm>>, %arg5: memref<3x4x8x1024xf32, #tpu.memory_space<vmem>>, %arg6: memref<3x8x1024xf32, #tpu.memory_space<vmem>>, %arg7: memref<3x!tpu.dma_semaphore, #tpu.memory_space<semaphore_mem>>, %arg8: memref<3x!tpu.dma_semaphore, #tpu.memory_space<semaphore_mem>>, %arg9: memref<3x!tpu.dma_semaphore, #tpu.memory_space<semaphore_mem>>) attributes {dimension_semantics = [#tpu.dimension_semantics<core_parallel>, #tpu.dimension_semantics<subcore_parallel>], iteration_bounds = array<i64: 2, 16>, scalar_prefetch = 0 : i64, scratch_operands = 5 : i64, tpu.core_type = #tpu.core_type<sc_vector_subcore>, window_params = [{transform_indices = #map}, {transform_indices = #map1}, {transform_indices = #map}]} {
    %mul3A = arith.constant 2 : i32
    %mul3A_0 = arith.muli %arg1, %mul3A : i32
    %add3A = arith.addi %mul3A_0, %arg0 : i32
    %mul3A_1 = arith.constant 64 : i32
    %mul3A_2 = arith.muli %add3A, %mul3A_1 : i32
    %add3A_3 = arith.constant 0 : i32
    %add3A_4 = arith.addi %mul3A_2, %add3A_3 : i32
    %dma_start3A = arith.constant 0 : i32
    %dma_start3A_5 = arith.constant 0 : i32
    %dma_start3A_6 = arith.constant 0 : i32
    %dma_start3A_7 = arith.constant 0 : i32
    %dma_start3A_8 = tpu.memref_slice %arg6[%dma_start3A, %dma_start3A_6, %dma_start3A_7] : memref<3x8x1024xf32, #tpu.memory_space<vmem>> -> memref<1x8x1024xf32, #tpu.memory_space<vmem>>
    %dma_start3A_9 = tpu.memref_squeeze %dma_start3A_8 : memref<1x8x1024xf32, #tpu.memory_space<vmem>> -> memref<8x1024xf32, #tpu.memory_space<vmem>>
    %dma_start3A_10 = arith.constant 0 : i32
    %dma_start3A_11 = tpu.memref_slice %arg3[%add3A_4, %dma_start3A_10] : memref<2048x1024xf32, #tpu.memory_space<hbm>> -> memref<8x1024xf32, #tpu.memory_space<hbm>>
    %dma_start3A_12 = tpu.memref_slice %arg8[%dma_start3A_5] : memref<3x!tpu.dma_semaphore, #tpu.memory_space<semaphore_mem>> -> memref<1x!tpu.dma_semaphore, #tpu.memory_space<semaphore_mem>>
    %dma_start3A_13 = tpu.memref_squeeze %dma_start3A_12 : memref<1x!tpu.dma_semaphore, #tpu.memory_space<semaphore_mem>> -> memref<!tpu.dma_semaphore, #tpu.memory_space<semaphore_mem>>
    %dma_start3A_14 = arith.constant 0 : i32
    %dma_start3A_15 = arith.constant 0 : i32
    %dma_start3A_16 = tpu.memref_slice %arg6[%dma_start3A, %dma_start3A_14, %dma_start3A_15] : memref<3x8x1024xf32, #tpu.memory_space<vmem>> -> memref<1x8x1024xf32, #tpu.memory_space<vmem>>
    %dma_start3A_17 = tpu.memref_squeeze %dma_start3A_16 : memref<1x8x1024xf32, #tpu.memory_space<vmem>> -> memref<8x1024xf32, #tpu.memory_space<vmem>>
    %dma_start3A_18 = arith.constant 0 : i32
    %dma_start3A_19 = tpu.memref_slice %arg3[%add3A_4, %dma_start3A_18] : memref<2048x1024xf32, #tpu.memory_space<hbm>> -> memref<8x1024xf32, #tpu.memory_space<hbm>>
    tpu.enqueue_dma source(%dma_start3A_19 : memref<8x1024xf32, #tpu.memory_space<hbm>>) target(%dma_start3A_17 : memref<8x1024xf32, #tpu.memory_space<vmem>>) target_semaphore(%dma_start3A_13 : memref<!tpu.dma_semaphore, #tpu.memory_space<semaphore_mem>>)
    %dma_start3A_20 = arith.constant 0 : i32
    %dma_start3A_21 = arith.constant 0 : i32
    %dma_start3A_22 = arith.constant 0 : i32
    %dma_start3A_23 = arith.constant 0 : i32
    %dma_start3A_24 = arith.constant 0 : i32
    %dma_start3A_25 = tpu.memref_slice %arg5[%dma_start3A_20, %dma_start3A_22, %dma_start3A_23, %dma_start3A_24] : memref<3x4x8x1024xf32, #tpu.memory_space<vmem>> -> memref<1x4x8x1024xf32, #tpu.memory_space<vmem>>
    %dma_start3A_26 = tpu.memref_squeeze %dma_start3A_25 : memref<1x4x8x1024xf32, #tpu.memory_space<vmem>> -> memref<4x8x1024xf32, #tpu.memory_space<vmem>>
    %dma_start3A_27 = arith.constant 0 : i32
    %dma_start3A_28 = arith.constant 0 : i32
    %dma_start3A_29 = tpu.memref_slice %arg2[%dma_start3A_27, %add3A_4, %dma_start3A_28] : memref<4x2048x1024xf32, #tpu.memory_space<hbm>> -> memref<4x8x1024xf32, #tpu.memory_space<hbm>>
    %dma_start3A_30 = tpu.memref_slice %arg7[%dma_start3A_21] : memref<3x!tpu.dma_semaphore, #tpu.memory_space<semaphore_mem>> -> memref<1x!tpu.dma_semaphore, #tpu.memory_space<semaphore_mem>>
    %dma_start3A_31 = tpu.memref_squeeze %dma_start3A_30 : memref<1x!tpu.dma_semaphore, #tpu.memory_space<semaphore_mem>> -> memref<!tpu.dma_semaphore, #tpu.memory_space<semaphore_mem>>
    %dma_start3A_32 = arith.constant 0 : i32
    %dma_start3A_33 = arith.constant 0 : i32
    %dma_start3A_34 = arith.constant 0 : i32
    %dma_start3A_35 = tpu.memref_slice %arg5[%dma_start3A_20, %dma_start3A_32, %dma_start3A_33, %dma_start3A_34] : memref<3x4x8x1024xf32, #tpu.memory_space<vmem>> -> memref<1x4x8x1024xf32, #tpu.memory_space<vmem>>
    %dma_start3A_36 = tpu.memref_squeeze %dma_start3A_35 : memref<1x4x8x1024xf32, #tpu.memory_space<vmem>> -> memref<4x8x1024xf32, #tpu.memory_space<vmem>>
    %dma_start3A_37 = arith.constant 0 : i32
    %dma_start3A_38 = arith.constant 0 : i32
    %dma_start3A_39 = tpu.memref_slice %arg2[%dma_start3A_37, %add3A_4, %dma_start3A_38] : memref<4x2048x1024xf32, #tpu.memory_space<hbm>> -> memref<4x8x1024xf32, #tpu.memory_space<hbm>>
    tpu.enqueue_dma source(%dma_start3A_39 : memref<4x8x1024xf32, #tpu.memory_space<hbm>>) target(%dma_start3A_36 : memref<4x8x1024xf32, #tpu.memory_space<vmem>>) target_semaphore(%dma_start3A_31 : memref<!tpu.dma_semaphore, #tpu.memory_space<semaphore_mem>>)
    %add3A_40 = arith.constant 8 : i32
    %add3A_41 = arith.addi %mul3A_2, %add3A_40 : i32
    %dma_start3A_42 = arith.constant 1 : i32
    %dma_start3A_43 = arith.constant 1 : i32
    %dma_start3A_44 = arith.constant 0 : i32
    %dma_start3A_45 = arith.constant 0 : i32
    %dma_start3A_46 = tpu.memref_slice %arg6[%dma_start3A_42, %dma_start3A_44, %dma_start3A_45] : memref<3x8x1024xf32, #tpu.memory_space<vmem>> -> memref<1x8x1024xf32, #tpu.memory_space<vmem>>
    %dma_start3A_47 = tpu.memref_squeeze %dma_start3A_46 : memref<1x8x1024xf32, #tpu.memory_space<vmem>> -> memref<8x1024xf32, #tpu.memory_space<vmem>>
    %dma_start3A_48 = arith.constant 0 : i32
    %dma_start3A_49 = tpu.memref_slice %arg3[%add3A_41, %dma_start3A_48] : memref<2048x1024xf32, #tpu.memory_space<hbm>> -> memref<8x1024xf32, #tpu.memory_space<hbm>>
    %dma_start3A_50 = tpu.memref_slice %arg8[%dma_start3A_43] : memref<3x!tpu.dma_semaphore, #tpu.memory_space<semaphore_mem>> -> memref<1x!tpu.dma_semaphore, #tpu.memory_space<semaphore_mem>>
    %dma_start3A_51 = tpu.memref_squeeze %dma_start3A_50 : memref<1x!tpu.dma_semaphore, #tpu.memory_space<semaphore_mem>> -> memref<!tpu.dma_semaphore, #tpu.memory_space<semaphore_mem>>
    %dma_start3A_52 = arith.constant 0 : i32
    %dma_start3A_53 = arith.constant 0 : i32
    %dma_start3A_54 = tpu.memref_slice %arg6[%dma_start3A_42, %dma_start3A_52, %dma_start3A_53] : memref<3x8x1024xf32, #tpu.memory_space<vmem>> -> memref<1x8x1024xf32, #tpu.memory_space<vmem>>
    %dma_start3A_55 = tpu.memref_squeeze %dma_start3A_54 : memref<1x8x1024xf32, #tpu.memory_space<vmem>> -> memref<8x1024xf32, #tpu.memory_space<vmem>>
    %dma_start3A_56 = arith.constant 0 : i32
    %dma_start3A_57 = tpu.memref_slice %arg3[%add3A_41, %dma_start3A_56] : memref<2048x1024xf32, #tpu.memory_space<hbm>> -> memref<8x1024xf32, #tpu.memory_space<hbm>>
    tpu.enqueue_dma source(%dma_start3A_57 : memref<8x1024xf32, #tpu.memory_space<hbm>>) target(%dma_start3A_55 : memref<8x1024xf32, #tpu.memory_space<vmem>>) target_semaphore(%dma_start3A_51 : memref<!tpu.dma_semaphore, #tpu.memory_space<semaphore_mem>>)
    %dma_start3A_58 = arith.constant 1 : i32
    %dma_start3A_59 = arith.constant 1 : i32
    %dma_start3A_60 = arith.constant 0 : i32
    %dma_start3A_61 = arith.constant 0 : i32
    %dma_start3A_62 = arith.constant 0 : i32
    %dma_start3A_63 = tpu.memref_slice %arg5[%dma_start3A_58, %dma_start3A_60, %dma_start3A_61, %dma_start3A_62] : memref<3x4x8x1024xf32, #tpu.memory_space<vmem>> -> memref<1x4x8x1024xf32, #tpu.memory_space<vmem>>
    %dma_start3A_64 = tpu.memref_squeeze %dma_start3A_63 : memref<1x4x8x1024xf32, #tpu.memory_space<vmem>> -> memref<4x8x1024xf32, #tpu.memory_space<vmem>>
    %dma_start3A_65 = arith.constant 0 : i32
    %dma_start3A_66 = arith.constant 0 : i32
    %dma_start3A_67 = tpu.memref_slice %arg2[%dma_start3A_65, %add3A_41, %dma_start3A_66] : memref<4x2048x1024xf32, #tpu.memory_space<hbm>> -> memref<4x8x1024xf32, #tpu.memory_space<hbm>>
    %dma_start3A_68 = tpu.memref_slice %arg7[%dma_start3A_59] : memref<3x!tpu.dma_semaphore, #tpu.memory_space<semaphore_mem>> -> memref<1x!tpu.dma_semaphore, #tpu.memory_space<semaphore_mem>>
    %dma_start3A_69 = tpu.memref_squeeze %dma_start3A_68 : memref<1x!tpu.dma_semaphore, #tpu.memory_space<semaphore_mem>> -> memref<!tpu.dma_semaphore, #tpu.memory_space<semaphore_mem>>
    %dma_start3A_70 = arith.constant 0 : i32
    %dma_start3A_71 = arith.constant 0 : i32
    %dma_start3A_72 = arith.constant 0 : i32
    %dma_start3A_73 = tpu.memref_slice %arg5[%dma_start3A_58, %dma_start3A_70, %dma_start3A_71, %dma_start3A_72] : memref<3x4x8x1024xf32, #tpu.memory_space<vmem>> -> memref<1x4x8x1024xf32, #tpu.memory_space<vmem>>
    %dma_start3A_74 = tpu.memref_squeeze %dma_start3A_73 : memref<1x4x8x1024xf32, #tpu.memory_space<vmem>> -> memref<4x8x1024xf32, #tpu.memory_space<vmem>>
    %dma_start3A_75 = arith.constant 0 : i32
    %dma_start3A_76 = arith.constant 0 : i32
    %dma_start3A_77 = tpu.memref_slice %arg2[%dma_start3A_75, %add3A_41, %dma_start3A_76] : memref<4x2048x1024xf32, #tpu.memory_space<hbm>> -> memref<4x8x1024xf32, #tpu.memory_space<hbm>>
    tpu.enqueue_dma source(%dma_start3A_77 : memref<4x8x1024xf32, #tpu.memory_space<hbm>>) target(%dma_start3A_74 : memref<4x8x1024xf32, #tpu.memory_space<vmem>>) target_semaphore(%dma_start3A_69 : memref<!tpu.dma_semaphore, #tpu.memory_space<semaphore_mem>>)
    %add3A_78 = arith.constant 16 : i32
    %add3A_79 = arith.addi %mul3A_2, %add3A_78 : i32
    %dma_start3A_80 = arith.constant 2 : i32
    %dma_start3A_81 = arith.constant 2 : i32
    %dma_start3A_82 = arith.constant 0 : i32
    %dma_start3A_83 = arith.constant 0 : i32
    %dma_start3A_84 = tpu.memref_slice %arg6[%dma_start3A_80, %dma_start3A_82, %dma_start3A_83] : memref<3x8x1024xf32, #tpu.memory_space<vmem>> -> memref<1x8x1024xf32, #tpu.memory_space<vmem>>
    %dma_start3A_85 = tpu.memref_squeeze %dma_start3A_84 : memref<1x8x1024xf32, #tpu.memory_space<vmem>> -> memref<8x1024xf32, #tpu.memory_space<vmem>>
    %dma_start3A_86 = arith.constant 0 : i32
    %dma_start3A_87 = tpu.memref_slice %arg3[%add3A_79, %dma_start3A_86] : memref<2048x1024xf32, #tpu.memory_space<hbm>> -> memref<8x1024xf32, #tpu.memory_space<hbm>>
    %dma_start3A_88 = tpu.memref_slice %arg8[%dma_start3A_81] : memref<3x!tpu.dma_semaphore, #tpu.memory_space<semaphore_mem>> -> memref<1x!tpu.dma_semaphore, #tpu.memory_space<semaphore_mem>>
    %dma_start3A_89 = tpu.memref_squeeze %dma_start3A_88 : memref<1x!tpu.dma_semaphore, #tpu.memory_space<semaphore_mem>> -> memref<!tpu.dma_semaphore, #tpu.memory_space<semaphore_mem>>
    %dma_start3A_90 = arith.constant 0 : i32
    %dma_start3A_91 = arith.constant 0 : i32
    %dma_start3A_92 = tpu.memref_slice %arg6[%dma_start3A_80, %dma_start3A_90, %dma_start3A_91] : memref<3x8x1024xf32, #tpu.memory_space<vmem>> -> memref<1x8x1024xf32, #tpu.memory_space<vmem>>
    %dma_start3A_93 = tpu.memref_squeeze %dma_start3A_92 : memref<1x8x1024xf32, #tpu.memory_space<vmem>> -> memref<8x1024xf32, #tpu.memory_space<vmem>>
    %dma_start3A_94 = arith.constant 0 : i32
    %dma_start3A_95 = tpu.memref_slice %arg3[%add3A_79, %dma_start3A_94] : memref<2048x1024xf32, #tpu.memory_space<hbm>> -> memref<8x1024xf32, #tpu.memory_space<hbm>>
    tpu.enqueue_dma source(%dma_start3A_95 : memref<8x1024xf32, #tpu.memory_space<hbm>>) target(%dma_start3A_93 : memref<8x1024xf32, #tpu.memory_space<vmem>>) target_semaphore(%dma_start3A_89 : memref<!tpu.dma_semaphore, #tpu.memory_space<semaphore_mem>>)
    %dma_start3A_96 = arith.constant 2 : i32
    %dma_start3A_97 = arith.constant 2 : i32
    %dma_start3A_98 = arith.constant 0 : i32
    %dma_start3A_99 = arith.constant 0 : i32
    %dma_start3A_100 = arith.constant 0 : i32
    %dma_start3A_101 = tpu.memref_slice %arg5[%dma_start3A_96, %dma_start3A_98, %dma_start3A_99, %dma_start3A_100] : memref<3x4x8x1024xf32, #tpu.memory_space<vmem>> -> memref<1x4x8x1024xf32, #tpu.memory_space<vmem>>
    %dma_start3A_102 = tpu.memref_squeeze %dma_start3A_101 : memref<1x4x8x1024xf32, #tpu.memory_space<vmem>> -> memref<4x8x1024xf32, #tpu.memory_space<vmem>>
    %dma_start3A_103 = arith.constant 0 : i32
    %dma_start3A_104 = arith.constant 0 : i32
    %dma_start3A_105 = tpu.memref_slice %arg2[%dma_start3A_103, %add3A_79, %dma_start3A_104] : memref<4x2048x1024xf32, #tpu.memory_space<hbm>> -> memref<4x8x1024xf32, #tpu.memory_space<hbm>>
    %dma_start3A_106 = tpu.memref_slice %arg7[%dma_start3A_97] : memref<3x!tpu.dma_semaphore, #tpu.memory_space<semaphore_mem>> -> memref<1x!tpu.dma_semaphore, #tpu.memory_space<semaphore_mem>>
    %dma_start3A_107 = tpu.memref_squeeze %dma_start3A_106 : memref<1x!tpu.dma_semaphore, #tpu.memory_space<semaphore_mem>> -> memref<!tpu.dma_semaphore, #tpu.memory_space<semaphore_mem>>
    %dma_start3A_108 = arith.constant 0 : i32
    %dma_start3A_109 = arith.constant 0 : i32
    %dma_start3A_110 = arith.constant 0 : i32
    %dma_start3A_111 = tpu.memref_slice %arg5[%dma_start3A_96, %dma_start3A_108, %dma_start3A_109, %dma_start3A_110] : memref<3x4x8x1024xf32, #tpu.memory_space<vmem>> -> memref<1x4x8x1024xf32, #tpu.memory_space<vmem>>
    %dma_start3A_112 = tpu.memref_squeeze %dma_start3A_111 : memref<1x4x8x1024xf32, #tpu.memory_space<vmem>> -> memref<4x8x1024xf32, #tpu.memory_space<vmem>>
    %dma_start3A_113 = arith.constant 0 : i32
    %dma_start3A_114 = arith.constant 0 : i32
    %dma_start3A_115 = tpu.memref_slice %arg2[%dma_start3A_113, %add3A_79, %dma_start3A_114] : memref<4x2048x1024xf32, #tpu.memory_space<hbm>> -> memref<4x8x1024xf32, #tpu.memory_space<hbm>>
    tpu.enqueue_dma source(%dma_start3A_115 : memref<4x8x1024xf32, #tpu.memory_space<hbm>>) target(%dma_start3A_112 : memref<4x8x1024xf32, #tpu.memory_space<vmem>>) target_semaphore(%dma_start3A_107 : memref<!tpu.dma_semaphore, #tpu.memory_space<semaphore_mem>>)
    %dma_wait3A = arith.constant 0 : i32
    %dma_wait3A_116 = arith.constant 0 : i32
    %dma_wait3A_117 = arith.constant 0 : i32
    %dma_wait3A_118 = arith.constant 0 : i32
    %dma_wait3A_119 = tpu.memref_slice %arg6[%dma_wait3A, %dma_wait3A_117, %dma_wait3A_118] : memref<3x8x1024xf32, #tpu.memory_space<vmem>> -> memref<1x8x1024xf32, #tpu.memory_space<vmem>>
    %dma_wait3A_120 = tpu.memref_squeeze %dma_wait3A_119 : memref<1x8x1024xf32, #tpu.memory_space<vmem>> -> memref<8x1024xf32, #tpu.memory_space<vmem>>
    %dma_wait3A_121 = arith.constant 0 : i32
    %dma_wait3A_122 = tpu.memref_slice %arg3[%add3A_4, %dma_wait3A_121] : memref<2048x1024xf32, #tpu.memory_space<hbm>> -> memref<8x1024xf32, #tpu.memory_space<hbm>>
    %dma_wait3A_123 = tpu.memref_slice %arg8[%dma_wait3A_116] : memref<3x!tpu.dma_semaphore, #tpu.memory_space<semaphore_mem>> -> memref<1x!tpu.dma_semaphore, #tpu.memory_space<semaphore_mem>>
    %dma_wait3A_124 = tpu.memref_squeeze %dma_wait3A_123 : memref<1x!tpu.dma_semaphore, #tpu.memory_space<semaphore_mem>> -> memref<!tpu.dma_semaphore, #tpu.memory_space<semaphore_mem>>
    %dma_wait3A_125 = arith.constant 0 : i32
    %dma_wait3A_126 = arith.constant 0 : i32
    %dma_wait3A_127 = tpu.memref_slice %arg6[%dma_wait3A, %dma_wait3A_125, %dma_wait3A_126] : memref<3x8x1024xf32, #tpu.memory_space<vmem>> -> memref<1x8x1024xf32, #tpu.memory_space<vmem>>
    %dma_wait3A_128 = tpu.memref_squeeze %dma_wait3A_127 : memref<1x8x1024xf32, #tpu.memory_space<vmem>> -> memref<8x1024xf32, #tpu.memory_space<vmem>>
    %dma_wait3A_129 = arith.constant 0 : i32
    %dma_wait3A_130 = tpu.memref_slice %arg3[%add3A_4, %dma_wait3A_129] : memref<2048x1024xf32, #tpu.memory_space<hbm>> -> memref<8x1024xf32, #tpu.memory_space<hbm>>
    tpu.wait_dma2 semaphore(%dma_wait3A_124 : memref<!tpu.dma_semaphore, #tpu.memory_space<semaphore_mem>>) src(%dma_wait3A_130 : memref<8x1024xf32, #tpu.memory_space<hbm>>) dst(%dma_wait3A_128 : memref<8x1024xf32, #tpu.memory_space<vmem>>)
    %dma_wait3A_131 = arith.constant 0 : i32
    %dma_wait3A_132 = arith.constant 0 : i32
    %dma_wait3A_133 = arith.constant 0 : i32
    %dma_wait3A_134 = arith.constant 0 : i32
    %dma_wait3A_135 = arith.constant 0 : i32
    %dma_wait3A_136 = tpu.memref_slice %arg5[%dma_wait3A_131, %dma_wait3A_133, %dma_wait3A_134, %dma_wait3A_135] : memref<3x4x8x1024xf32, #tpu.memory_space<vmem>> -> memref<1x4x8x1024xf32, #tpu.memory_space<vmem>>
    %dma_wait3A_137 = tpu.memref_squeeze %dma_wait3A_136 : memref<1x4x8x1024xf32, #tpu.memory_space<vmem>> -> memref<4x8x1024xf32, #tpu.memory_space<vmem>>
    %dma_wait3A_138 = arith.constant 0 : i32
    %dma_wait3A_139 = arith.constant 0 : i32
    %dma_wait3A_140 = tpu.memref_slice %arg2[%dma_wait3A_138, %add3A_4, %dma_wait3A_139] : memref<4x2048x1024xf32, #tpu.memory_space<hbm>> -> memref<4x8x1024xf32, #tpu.memory_space<hbm>>
    %dma_wait3A_141 = tpu.memref_slice %arg7[%dma_wait3A_132] : memref<3x!tpu.dma_semaphore, #tpu.memory_space<semaphore_mem>> -> memref<1x!tpu.dma_semaphore, #tpu.memory_space<semaphore_mem>>
    %dma_wait3A_142 = tpu.memref_squeeze %dma_wait3A_141 : memref<1x!tpu.dma_semaphore, #tpu.memory_space<semaphore_mem>> -> memref<!tpu.dma_semaphore, #tpu.memory_space<semaphore_mem>>
    %dma_wait3A_143 = arith.constant 0 : i32
    %dma_wait3A_144 = arith.constant 0 : i32
    %dma_wait3A_145 = arith.constant 0 : i32
    %dma_wait3A_146 = tpu.memref_slice %arg5[%dma_wait3A_131, %dma_wait3A_143, %dma_wait3A_144, %dma_wait3A_145] : memref<3x4x8x1024xf32, #tpu.memory_space<vmem>> -> memref<1x4x8x1024xf32, #tpu.memory_space<vmem>>
    %dma_wait3A_147 = tpu.memref_squeeze %dma_wait3A_146 : memref<1x4x8x1024xf32, #tpu.memory_space<vmem>> -> memref<4x8x1024xf32, #tpu.memory_space<vmem>>
    %dma_wait3A_148 = arith.constant 0 : i32
    %dma_wait3A_149 = arith.constant 0 : i32
    %dma_wait3A_150 = tpu.memref_slice %arg2[%dma_wait3A_148, %add3A_4, %dma_wait3A_149] : memref<4x2048x1024xf32, #tpu.memory_space<hbm>> -> memref<4x8x1024xf32, #tpu.memory_space<hbm>>
    tpu.wait_dma2 semaphore(%dma_wait3A_142 : memref<!tpu.dma_semaphore, #tpu.memory_space<semaphore_mem>>) src(%dma_wait3A_150 : memref<4x8x1024xf32, #tpu.memory_space<hbm>>) dst(%dma_wait3A_147 : memref<4x8x1024xf32, #tpu.memory_space<vmem>>)
    %add3A_151 = arith.constant 0 : i32
    %add3A_152 = arith.addi %mul3A_2, %add3A_151 : i32
    %dma_start3A_153 = arith.constant 0 : i32
    %dma_start3A_154 = arith.constant 0 : i32
    %dma_start3A_155 = arith.constant 0 : i32
    %dma_start3A_156 = arith.constant 0 : i32
    %dma_start3A_157 = arith.constant 0 : i32
    %dma_start3A_158 = tpu.memref_slice %arg5[%dma_start3A_153, %dma_start3A_155, %dma_start3A_156, %dma_start3A_157] : memref<3x4x8x1024xf32, #tpu.memory_space<vmem>> -> memref<1x4x8x1024xf32, #tpu.memory_space<vmem>>
    %dma_start3A_159 = tpu.memref_squeeze %dma_start3A_158 : memref<1x4x8x1024xf32, #tpu.memory_space<vmem>> -> memref<4x8x1024xf32, #tpu.memory_space<vmem>>
    %dma_start3A_160 = arith.constant 0 : i32
    %dma_start3A_161 = arith.constant 0 : i32
    %dma_start3A_162 = tpu.memref_slice %arg4[%dma_start3A_160, %add3A_152, %dma_start3A_161] : memref<4x2048x1024xf32, #tpu.memory_space<hbm>> -> memref<4x8x1024xf32, #tpu.memory_space<hbm>>
    %dma_start3A_163 = tpu.memref_slice %arg9[%dma_start3A_154] : memref<3x!tpu.dma_semaphore, #tpu.memory_space<semaphore_mem>> -> memref<1x!tpu.dma_semaphore, #tpu.memory_space<semaphore_mem>>
    %dma_start3A_164 = tpu.memref_squeeze %dma_start3A_163 : memref<1x!tpu.dma_semaphore, #tpu.memory_space<semaphore_mem>> -> memref<!tpu.dma_semaphore, #tpu.memory_space<semaphore_mem>>
    %dma_start3A_165 = arith.constant 0 : i32
    %dma_start3A_166 = arith.constant 0 : i32
    %dma_start3A_167 = tpu.memref_slice %arg4[%dma_start3A_165, %add3A_152, %dma_start3A_166] : memref<4x2048x1024xf32, #tpu.memory_space<hbm>> -> memref<4x8x1024xf32, #tpu.memory_space<hbm>>
    %dma_start3A_168 = arith.constant 0 : i32
    %dma_start3A_169 = arith.constant 0 : i32
    %dma_start3A_170 = arith.constant 0 : i32
    %dma_start3A_171 = tpu.memref_slice %arg5[%dma_start3A_153, %dma_start3A_168, %dma_start3A_169, %dma_start3A_170] : memref<3x4x8x1024xf32, #tpu.memory_space<vmem>> -> memref<1x4x8x1024xf32, #tpu.memory_space<vmem>>
    %dma_start3A_172 = tpu.memref_squeeze %dma_start3A_171 : memref<1x4x8x1024xf32, #tpu.memory_space<vmem>> -> memref<4x8x1024xf32, #tpu.memory_space<vmem>>
    tpu.enqueue_dma source(%dma_start3A_172 : memref<4x8x1024xf32, #tpu.memory_space<vmem>>) target(%dma_start3A_167 : memref<4x8x1024xf32, #tpu.memory_space<hbm>>) target_semaphore(%dma_start3A_164 : memref<!tpu.dma_semaphore, #tpu.memory_space<semaphore_mem>>)
    %dma_wait3A_173 = arith.constant 0 : i32
    %dma_wait3A_174 = arith.constant 0 : i32
    %dma_wait3A_175 = arith.constant 0 : i32
    %dma_wait3A_176 = arith.constant 0 : i32
    %dma_wait3A_177 = arith.constant 0 : i32
    %dma_wait3A_178 = tpu.memref_slice %arg5[%dma_wait3A_173, %dma_wait3A_175, %dma_wait3A_176, %dma_wait3A_177] : memref<3x4x8x1024xf32, #tpu.memory_space<vmem>> -> memref<1x4x8x1024xf32, #tpu.memory_space<vmem>>
    %dma_wait3A_179 = tpu.memref_squeeze %dma_wait3A_178 : memref<1x4x8x1024xf32, #tpu.memory_space<vmem>> -> memref<4x8x1024xf32, #tpu.memory_space<vmem>>
    %dma_wait3A_180 = arith.constant 0 : i32
    %dma_wait3A_181 = arith.constant 0 : i32
    %dma_wait3A_182 = tpu.memref_slice %arg4[%dma_wait3A_180, %add3A_152, %dma_wait3A_181] : memref<4x2048x1024xf32, #tpu.memory_space<hbm>> -> memref<4x8x1024xf32, #tpu.memory_space<hbm>>
    %dma_wait3A_183 = tpu.memref_slice %arg9[%dma_wait3A_174] : memref<3x!tpu.dma_semaphore, #tpu.memory_space<semaphore_mem>> -> memref<1x!tpu.dma_semaphore, #tpu.memory_space<semaphore_mem>>
    %dma_wait3A_184 = tpu.memref_squeeze %dma_wait3A_183 : memref<1x!tpu.dma_semaphore, #tpu.memory_space<semaphore_mem>> -> memref<!tpu.dma_semaphore, #tpu.memory_space<semaphore_mem>>
    %dma_wait3A_185 = arith.constant 0 : i32
    %dma_wait3A_186 = arith.constant 0 : i32
    %dma_wait3A_187 = tpu.memref_slice %arg4[%dma_wait3A_185, %add3A_152, %dma_wait3A_186] : memref<4x2048x1024xf32, #tpu.memory_space<hbm>> -> memref<4x8x1024xf32, #tpu.memory_space<hbm>>
    %dma_wait3A_188 = arith.constant 0 : i32
    %dma_wait3A_189 = arith.constant 0 : i32
    %dma_wait3A_190 = arith.constant 0 : i32
    %dma_wait3A_191 = tpu.memref_slice %arg5[%dma_wait3A_173, %dma_wait3A_188, %dma_wait3A_189, %dma_wait3A_190] : memref<3x4x8x1024xf32, #tpu.memory_space<vmem>> -> memref<1x4x8x1024xf32, #tpu.memory_space<vmem>>
    %dma_wait3A_192 = tpu.memref_squeeze %dma_wait3A_191 : memref<1x4x8x1024xf32, #tpu.memory_space<vmem>> -> memref<4x8x1024xf32, #tpu.memory_space<vmem>>
    tpu.wait_dma2 semaphore(%dma_wait3A_184 : memref<!tpu.dma_semaphore, #tpu.memory_space<semaphore_mem>>) src(%dma_wait3A_192 : memref<4x8x1024xf32, #tpu.memory_space<vmem>>) dst(%dma_wait3A_187 : memref<4x8x1024xf32, #tpu.memory_space<hbm>>)
    %add3A_193 = arith.constant 24 : i32
    %add3A_194 = arith.addi %mul3A_2, %add3A_193 : i32
    %dma_start3A_195 = arith.constant 0 : i32
    %dma_start3A_196 = arith.constant 0 : i32
    %dma_start3A_197 = arith.constant 0 : i32
    %dma_start3A_198 = arith.constant 0 : i32
    %dma_start3A_199 = tpu.memref_slice %arg6[%dma_start3A_195, %dma_start3A_197, %dma_start3A_198] : memref<3x8x1024xf32, #tpu.memory_space<vmem>> -> memref<1x8x1024xf32, #tpu.memory_space<vmem>>
    %dma_start3A_200 = tpu.memref_squeeze %dma_start3A_199 : memref<1x8x1024xf32, #tpu.memory_space<vmem>> -> memref<8x1024xf32, #tpu.memory_space<vmem>>
    %dma_start3A_201 = arith.constant 0 : i32
    %dma_start3A_202 = tpu.memref_slice %arg3[%add3A_194, %dma_start3A_201] : memref<2048x1024xf32, #tpu.memory_space<hbm>> -> memref<8x1024xf32, #tpu.memory_space<hbm>>
    %dma_start3A_203 = tpu.memref_slice %arg8[%dma_start3A_196] : memref<3x!tpu.dma_semaphore, #tpu.memory_space<semaphore_mem>> -> memref<1x!tpu.dma_semaphore, #tpu.memory_space<semaphore_mem>>
    %dma_start3A_204 = tpu.memref_squeeze %dma_start3A_203 : memref<1x!tpu.dma_semaphore, #tpu.memory_space<semaphore_mem>> -> memref<!tpu.dma_semaphore, #tpu.memory_space<semaphore_mem>>
    %dma_start3A_205 = arith.constant 0 : i32
    %dma_start3A_206 = arith.constant 0 : i32
    %dma_start3A_207 = tpu.memref_slice %arg6[%dma_start3A_195, %dma_start3A_205, %dma_start3A_206] : memref<3x8x1024xf32, #tpu.memory_space<vmem>> -> memref<1x8x1024xf32, #tpu.memory_space<vmem>>
    %dma_start3A_208 = tpu.memref_squeeze %dma_start3A_207 : memref<1x8x1024xf32, #tpu.memory_space<vmem>> -> memref<8x1024xf32, #tpu.memory_space<vmem>>
    %dma_start3A_209 = arith.constant 0 : i32
    %dma_start3A_210 = tpu.memref_slice %arg3[%add3A_194, %dma_start3A_209] : memref<2048x1024xf32, #tpu.memory_space<hbm>> -> memref<8x1024xf32, #tpu.memory_space<hbm>>
    tpu.enqueue_dma source(%dma_start3A_210 : memref<8x1024xf32, #tpu.memory_space<hbm>>) target(%dma_start3A_208 : memref<8x1024xf32, #tpu.memory_space<vmem>>) target_semaphore(%dma_start3A_204 : memref<!tpu.dma_semaphore, #tpu.memory_space<semaphore_mem>>)
    %dma_start3A_211 = arith.constant 0 : i32
    %dma_start3A_212 = arith.constant 0 : i32
    %dma_start3A_213 = arith.constant 0 : i32
    %dma_start3A_214 = arith.constant 0 : i32
    %dma_start3A_215 = arith.constant 0 : i32
    %dma_start3A_216 = tpu.memref_slice %arg5[%dma_start3A_211, %dma_start3A_213, %dma_start3A_214, %dma_start3A_215] : memref<3x4x8x1024xf32, #tpu.memory_space<vmem>> -> memref<1x4x8x1024xf32, #tpu.memory_space<vmem>>
    %dma_start3A_217 = tpu.memref_squeeze %dma_start3A_216 : memref<1x4x8x1024xf32, #tpu.memory_space<vmem>> -> memref<4x8x1024xf32, #tpu.memory_space<vmem>>
    %dma_start3A_218 = arith.constant 0 : i32
    %dma_start3A_219 = arith.constant 0 : i32
    %dma_start3A_220 = tpu.memref_slice %arg2[%dma_start3A_218, %add3A_194, %dma_start3A_219] : memref<4x2048x1024xf32, #tpu.memory_space<hbm>> -> memref<4x8x1024xf32, #tpu.memory_space<hbm>>
    %dma_start3A_221 = tpu.memref_slice %arg7[%dma_start3A_212] : memref<3x!tpu.dma_semaphore, #tpu.memory_space<semaphore_mem>> -> memref<1x!tpu.dma_semaphore, #tpu.memory_space<semaphore_mem>>
    %dma_start3A_222 = tpu.memref_squeeze %dma_start3A_221 : memref<1x!tpu.dma_semaphore, #tpu.memory_space<semaphore_mem>> -> memref<!tpu.dma_semaphore, #tpu.memory_space<semaphore_mem>>
    %dma_start3A_223 = arith.constant 0 : i32
    %dma_start3A_224 = arith.constant 0 : i32
    %dma_start3A_225 = arith.constant 0 : i32
    %dma_start3A_226 = tpu.memref_slice %arg5[%dma_start3A_211, %dma_start3A_223, %dma_start3A_224, %dma_start3A_225] : memref<3x4x8x1024xf32, #tpu.memory_space<vmem>> -> memref<1x4x8x1024xf32, #tpu.memory_space<vmem>>
    %dma_start3A_227 = tpu.memref_squeeze %dma_start3A_226 : memref<1x4x8x1024xf32, #tpu.memory_space<vmem>> -> memref<4x8x1024xf32, #tpu.memory_space<vmem>>
    %dma_start3A_228 = arith.constant 0 : i32
    %dma_start3A_229 = arith.constant 0 : i32
    %dma_start3A_230 = tpu.memref_slice %arg2[%dma_start3A_228, %add3A_194, %dma_start3A_229] : memref<4x2048x1024xf32, #tpu.memory_space<hbm>> -> memref<4x8x1024xf32, #tpu.memory_space<hbm>>
    tpu.enqueue_dma source(%dma_start3A_230 : memref<4x8x1024xf32, #tpu.memory_space<hbm>>) target(%dma_start3A_227 : memref<4x8x1024xf32, #tpu.memory_space<vmem>>) target_semaphore(%dma_start3A_222 : memref<!tpu.dma_semaphore, #tpu.memory_space<semaphore_mem>>)
    %dma_wait3A_231 = arith.constant 1 : i32
    %dma_wait3A_232 = arith.constant 1 : i32
    %dma_wait3A_233 = arith.constant 0 : i32
    %dma_wait3A_234 = arith.constant 0 : i32
    %dma_wait3A_235 = tpu.memref_slice %arg6[%dma_wait3A_231, %dma_wait3A_233, %dma_wait3A_234] : memref<3x8x1024xf32, #tpu.memory_space<vmem>> -> memref<1x8x1024xf32, #tpu.memory_space<vmem>>
    %dma_wait3A_236 = tpu.memref_squeeze %dma_wait3A_235 : memref<1x8x1024xf32, #tpu.memory_space<vmem>> -> memref<8x1024xf32, #tpu.memory_space<vmem>>
    %dma_wait3A_237 = arith.constant 0 : i32
    %dma_wait3A_238 = tpu.memref_slice %arg3[%add3A_41, %dma_wait3A_237] : memref<2048x1024xf32, #tpu.memory_space<hbm>> -> memref<8x1024xf32, #tpu.memory_space<hbm>>
    %dma_wait3A_239 = tpu.memref_slice %arg8[%dma_wait3A_232] : memref<3x!tpu.dma_semaphore, #tpu.memory_space<semaphore_mem>> -> memref<1x!tpu.dma_semaphore, #tpu.memory_space<semaphore_mem>>
    %dma_wait3A_240 = tpu.memref_squeeze %dma_wait3A_239 : memref<1x!tpu.dma_semaphore, #tpu.memory_space<semaphore_mem>> -> memref<!tpu.dma_semaphore, #tpu.memory_space<semaphore_mem>>
    %dma_wait3A_241 = arith.constant 0 : i32
    %dma_wait3A_242 = arith.constant 0 : i32
    %dma_wait3A_243 = tpu.memref_slice %arg6[%dma_wait3A_231, %dma_wait3A_241, %dma_wait3A_242] : memref<3x8x1024xf32, #tpu.memory_space<vmem>> -> memref<1x8x1024xf32, #tpu.memory_space<vmem>>
    %dma_wait3A_244 = tpu.memref_squeeze %dma_wait3A_243 : memref<1x8x1024xf32, #tpu.memory_space<vmem>> -> memref<8x1024xf32, #tpu.memory_space<vmem>>
    %dma_wait3A_245 = arith.constant 0 : i32
    %dma_wait3A_246 = tpu.memref_slice %arg3[%add3A_41, %dma_wait3A_245] : memref<2048x1024xf32, #tpu.memory_space<hbm>> -> memref<8x1024xf32, #tpu.memory_space<hbm>>
    tpu.wait_dma2 semaphore(%dma_wait3A_240 : memref<!tpu.dma_semaphore, #tpu.memory_space<semaphore_mem>>) src(%dma_wait3A_246 : memref<8x1024xf32, #tpu.memory_space<hbm>>) dst(%dma_wait3A_244 : memref<8x1024xf32, #tpu.memory_space<vmem>>)
    %dma_wait3A_247 = arith.constant 1 : i32
    %dma_wait3A_248 = arith.constant 1 : i32
    %dma_wait3A_249 = arith.constant 0 : i32
    %dma_wait3A_250 = arith.constant 0 : i32
    %dma_wait3A_251 = arith.constant 0 : i32
    %dma_wait3A_252 = tpu.memref_slice %arg5[%dma_wait3A_247, %dma_wait3A_249, %dma_wait3A_250, %dma_wait3A_251] : memref<3x4x8x1024xf32, #tpu.memory_space<vmem>> -> memref<1x4x8x1024xf32, #tpu.memory_space<vmem>>
    %dma_wait3A_253 = tpu.memref_squeeze %dma_wait3A_252 : memref<1x4x8x1024xf32, #tpu.memory_space<vmem>> -> memref<4x8x1024xf32, #tpu.memory_space<vmem>>
    %dma_wait3A_254 = arith.constant 0 : i32
    %dma_wait3A_255 = arith.constant 0 : i32
    %dma_wait3A_256 = tpu.memref_slice %arg2[%dma_wait3A_254, %add3A_41, %dma_wait3A_255] : memref<4x2048x1024xf32, #tpu.memory_space<hbm>> -> memref<4x8x1024xf32, #tpu.memory_space<hbm>>
    %dma_wait3A_257 = tpu.memref_slice %arg7[%dma_wait3A_248] : memref<3x!tpu.dma_semaphore, #tpu.memory_space<semaphore_mem>> -> memref<1x!tpu.dma_semaphore, #tpu.memory_space<semaphore_mem>>
    %dma_wait3A_258 = tpu.memref_squeeze %dma_wait3A_257 : memref<1x!tpu.dma_semaphore, #tpu.memory_space<semaphore_mem>> -> memref<!tpu.dma_semaphore, #tpu.memory_space<semaphore_mem>>
    %dma_wait3A_259 = arith.constant 0 : i32
    %dma_wait3A_260 = arith.constant 0 : i32
    %dma_wait3A_261 = arith.constant 0 : i32
    %dma_wait3A_262 = tpu.memref_slice %arg5[%dma_wait3A_247, %dma_wait3A_259, %dma_wait3A_260, %dma_wait3A_261] : memref<3x4x8x1024xf32, #tpu.memory_space<vmem>> -> memref<1x4x8x1024xf32, #tpu.memory_space<vmem>>
    %dma_wait3A_263 = tpu.memref_squeeze %dma_wait3A_262 : memref<1x4x8x1024xf32, #tpu.memory_space<vmem>> -> memref<4x8x1024xf32, #tpu.memory_space<vmem>>
    %dma_wait3A_264 = arith.constant 0 : i32
    %dma_wait3A_265 = arith.constant 0 : i32
    %dma_wait3A_266 = tpu.memref_slice %arg2[%dma_wait3A_264, %add3A_41, %dma_wait3A_265] : memref<4x2048x1024xf32, #tpu.memory_space<hbm>> -> memref<4x8x1024xf32, #tpu.memory_space<hbm>>
    tpu.wait_dma2 semaphore(%dma_wait3A_258 : memref<!tpu.dma_semaphore, #tpu.memory_space<semaphore_mem>>) src(%dma_wait3A_266 : memref<4x8x1024xf32, #tpu.memory_space<hbm>>) dst(%dma_wait3A_263 : memref<4x8x1024xf32, #tpu.memory_space<vmem>>)
    %add3A_267 = arith.constant 8 : i32
    %add3A_268 = arith.addi %mul3A_2, %add3A_267 : i32
    %dma_start3A_269 = arith.constant 1 : i32
    %dma_start3A_270 = arith.constant 1 : i32
    %dma_start3A_271 = arith.constant 0 : i32
    %dma_start3A_272 = arith.constant 0 : i32
    %dma_start3A_273 = arith.constant 0 : i32
    %dma_start3A_274 = tpu.memref_slice %arg5[%dma_start3A_269, %dma_start3A_271, %dma_start3A_272, %dma_start3A_273] : memref<3x4x8x1024xf32, #tpu.memory_space<vmem>> -> memref<1x4x8x1024xf32, #tpu.memory_space<vmem>>
    %dma_start3A_275 = tpu.memref_squeeze %dma_start3A_274 : memref<1x4x8x1024xf32, #tpu.memory_space<vmem>> -> memref<4x8x1024xf32, #tpu.memory_space<vmem>>
    %dma_start3A_276 = arith.constant 0 : i32
    %dma_start3A_277 = arith.constant 0 : i32
    %dma_start3A_278 = tpu.memref_slice %arg4[%dma_start3A_276, %add3A_268, %dma_start3A_277] : memref<4x2048x1024xf32, #tpu.memory_space<hbm>> -> memref<4x8x1024xf32, #tpu.memory_space<hbm>>
    %dma_start3A_279 = tpu.memref_slice %arg9[%dma_start3A_270] : memref<3x!tpu.dma_semaphore, #tpu.memory_space<semaphore_mem>> -> memref<1x!tpu.dma_semaphore, #tpu.memory_space<semaphore_mem>>
    %dma_start3A_280 = tpu.memref_squeeze %dma_start3A_279 : memref<1x!tpu.dma_semaphore, #tpu.memory_space<semaphore_mem>> -> memref<!tpu.dma_semaphore, #tpu.memory_space<semaphore_mem>>
    %dma_start3A_281 = arith.constant 0 : i32
    %dma_start3A_282 = arith.constant 0 : i32
    %dma_start3A_283 = tpu.memref_slice %arg4[%dma_start3A_281, %add3A_268, %dma_start3A_282] : memref<4x2048x1024xf32, #tpu.memory_space<hbm>> -> memref<4x8x1024xf32, #tpu.memory_space<hbm>>
    %dma_start3A_284 = arith.constant 0 : i32
    %dma_start3A_285 = arith.constant 0 : i32
    %dma_start3A_286 = arith.constant 0 : i32
    %dma_start3A_287 = tpu.memref_slice %arg5[%dma_start3A_269, %dma_start3A_284, %dma_start3A_285, %dma_start3A_286] : memref<3x4x8x1024xf32, #tpu.memory_space<vmem>> -> memref<1x4x8x1024xf32, #tpu.memory_space<vmem>>
    %dma_start3A_288 = tpu.memref_squeeze %dma_start3A_287 : memref<1x4x8x1024xf32, #tpu.memory_space<vmem>> -> memref<4x8x1024xf32, #tpu.memory_space<vmem>>
    tpu.enqueue_dma source(%dma_start3A_288 : memref<4x8x1024xf32, #tpu.memory_space<vmem>>) target(%dma_start3A_283 : memref<4x8x1024xf32, #tpu.memory_space<hbm>>) target_semaphore(%dma_start3A_280 : memref<!tpu.dma_semaphore, #tpu.memory_space<semaphore_mem>>)
    %dma_wait3A_289 = arith.constant 1 : i32
    %dma_wait3A_290 = arith.constant 1 : i32
    %dma_wait3A_291 = arith.constant 0 : i32
    %dma_wait3A_292 = arith.constant 0 : i32
    %dma_wait3A_293 = arith.constant 0 : i32
    %dma_wait3A_294 = tpu.memref_slice %arg5[%dma_wait3A_289, %dma_wait3A_291, %dma_wait3A_292, %dma_wait3A_293] : memref<3x4x8x1024xf32, #tpu.memory_space<vmem>> -> memref<1x4x8x1024xf32, #tpu.memory_space<vmem>>
    %dma_wait3A_295 = tpu.memref_squeeze %dma_wait3A_294 : memref<1x4x8x1024xf32, #tpu.memory_space<vmem>> -> memref<4x8x1024xf32, #tpu.memory_space<vmem>>
    %dma_wait3A_296 = arith.constant 0 : i32
    %dma_wait3A_297 = arith.constant 0 : i32
    %dma_wait3A_298 = tpu.memref_slice %arg4[%dma_wait3A_296, %add3A_268, %dma_wait3A_297] : memref<4x2048x1024xf32, #tpu.memory_space<hbm>> -> memref<4x8x1024xf32, #tpu.memory_space<hbm>>
    %dma_wait3A_299 = tpu.memref_slice %arg9[%dma_wait3A_290] : memref<3x!tpu.dma_semaphore, #tpu.memory_space<semaphore_mem>> -> memref<1x!tpu.dma_semaphore, #tpu.memory_space<semaphore_mem>>
    %dma_wait3A_300 = tpu.memref_squeeze %dma_wait3A_299 : memref<1x!tpu.dma_semaphore, #tpu.memory_space<semaphore_mem>> -> memref<!tpu.dma_semaphore, #tpu.memory_space<semaphore_mem>>
    %dma_wait3A_301 = arith.constant 0 : i32
    %dma_wait3A_302 = arith.constant 0 : i32
    %dma_wait3A_303 = tpu.memref_slice %arg4[%dma_wait3A_301, %add3A_268, %dma_wait3A_302] : memref<4x2048x1024xf32, #tpu.memory_space<hbm>> -> memref<4x8x1024xf32, #tpu.memory_space<hbm>>
    %dma_wait3A_304 = arith.constant 0 : i32
    %dma_wait3A_305 = arith.constant 0 : i32
    %dma_wait3A_306 = arith.constant 0 : i32
    %dma_wait3A_307 = tpu.memref_slice %arg5[%dma_wait3A_289, %dma_wait3A_304, %dma_wait3A_305, %dma_wait3A_306] : memref<3x4x8x1024xf32, #tpu.memory_space<vmem>> -> memref<1x4x8x1024xf32, #tpu.memory_space<vmem>>
    %dma_wait3A_308 = tpu.memref_squeeze %dma_wait3A_307 : memref<1x4x8x1024xf32, #tpu.memory_space<vmem>> -> memref<4x8x1024xf32, #tpu.memory_space<vmem>>
    tpu.wait_dma2 semaphore(%dma_wait3A_300 : memref<!tpu.dma_semaphore, #tpu.memory_space<semaphore_mem>>) src(%dma_wait3A_308 : memref<4x8x1024xf32, #tpu.memory_space<vmem>>) dst(%dma_wait3A_303 : memref<4x8x1024xf32, #tpu.memory_space<hbm>>)
    %add3A_309 = arith.constant 32 : i32
    %add3A_310 = arith.addi %mul3A_2, %add3A_309 : i32
    %dma_start3A_311 = arith.constant 1 : i32
    %dma_start3A_312 = arith.constant 1 : i32
    %dma_start3A_313 = arith.constant 0 : i32
    %dma_start3A_314 = arith.constant 0 : i32
    %dma_start3A_315 = tpu.memref_slice %arg6[%dma_start3A_311, %dma_start3A_313, %dma_start3A_314] : memref<3x8x1024xf32, #tpu.memory_space<vmem>> -> memref<1x8x1024xf32, #tpu.memory_space<vmem>>
    %dma_start3A_316 = tpu.memref_squeeze %dma_start3A_315 : memref<1x8x1024xf32, #tpu.memory_space<vmem>> -> memref<8x1024xf32, #tpu.memory_space<vmem>>
    %dma_start3A_317 = arith.constant 0 : i32
    %dma_start3A_318 = tpu.memref_slice %arg3[%add3A_310, %dma_start3A_317] : memref<2048x1024xf32, #tpu.memory_space<hbm>> -> memref<8x1024xf32, #tpu.memory_space<hbm>>
    %dma_start3A_319 = tpu.memref_slice %arg8[%dma_start3A_312] : memref<3x!tpu.dma_semaphore, #tpu.memory_space<semaphore_mem>> -> memref<1x!tpu.dma_semaphore, #tpu.memory_space<semaphore_mem>>
    %dma_start3A_320 = tpu.memref_squeeze %dma_start3A_319 : memref<1x!tpu.dma_semaphore, #tpu.memory_space<semaphore_mem>> -> memref<!tpu.dma_semaphore, #tpu.memory_space<semaphore_mem>>
    %dma_start3A_321 = arith.constant 0 : i32
    %dma_start3A_322 = arith.constant 0 : i32
    %dma_start3A_323 = tpu.memref_slice %arg6[%dma_start3A_311, %dma_start3A_321, %dma_start3A_322] : memref<3x8x1024xf32, #tpu.memory_space<vmem>> -> memref<1x8x1024xf32, #tpu.memory_space<vmem>>
    %dma_start3A_324 = tpu.memref_squeeze %dma_start3A_323 : memref<1x8x1024xf32, #tpu.memory_space<vmem>> -> memref<8x1024xf32, #tpu.memory_space<vmem>>
    %dma_start3A_325 = arith.constant 0 : i32
    %dma_start3A_326 = tpu.memref_slice %arg3[%add3A_310, %dma_start3A_325] : memref<2048x1024xf32, #tpu.memory_space<hbm>> -> memref<8x1024xf32, #tpu.memory_space<hbm>>
    tpu.enqueue_dma source(%dma_start3A_326 : memref<8x1024xf32, #tpu.memory_space<hbm>>) target(%dma_start3A_324 : memref<8x1024xf32, #tpu.memory_space<vmem>>) target_semaphore(%dma_start3A_320 : memref<!tpu.dma_semaphore, #tpu.memory_space<semaphore_mem>>)
    %dma_start3A_327 = arith.constant 1 : i32
    %dma_start3A_328 = arith.constant 1 : i32
    %dma_start3A_329 = arith.constant 0 : i32
    %dma_start3A_330 = arith.constant 0 : i32
    %dma_start3A_331 = arith.constant 0 : i32
    %dma_start3A_332 = tpu.memref_slice %arg5[%dma_start3A_327, %dma_start3A_329, %dma_start3A_330, %dma_start3A_331] : memref<3x4x8x1024xf32, #tpu.memory_space<vmem>> -> memref<1x4x8x1024xf32, #tpu.memory_space<vmem>>
    %dma_start3A_333 = tpu.memref_squeeze %dma_start3A_332 : memref<1x4x8x1024xf32, #tpu.memory_space<vmem>> -> memref<4x8x1024xf32, #tpu.memory_space<vmem>>
    %dma_start3A_334 = arith.constant 0 : i32
    %dma_start3A_335 = arith.constant 0 : i32
    %dma_start3A_336 = tpu.memref_slice %arg2[%dma_start3A_334, %add3A_310, %dma_start3A_335] : memref<4x2048x1024xf32, #tpu.memory_space<hbm>> -> memref<4x8x1024xf32, #tpu.memory_space<hbm>>
    %dma_start3A_337 = tpu.memref_slice %arg7[%dma_start3A_328] : memref<3x!tpu.dma_semaphore, #tpu.memory_space<semaphore_mem>> -> memref<1x!tpu.dma_semaphore, #tpu.memory_space<semaphore_mem>>
    %dma_start3A_338 = tpu.memref_squeeze %dma_start3A_337 : memref<1x!tpu.dma_semaphore, #tpu.memory_space<semaphore_mem>> -> memref<!tpu.dma_semaphore, #tpu.memory_space<semaphore_mem>>
    %dma_start3A_339 = arith.constant 0 : i32
    %dma_start3A_340 = arith.constant 0 : i32
    %dma_start3A_341 = arith.constant 0 : i32
    %dma_start3A_342 = tpu.memref_slice %arg5[%dma_start3A_327, %dma_start3A_339, %dma_start3A_340, %dma_start3A_341] : memref<3x4x8x1024xf32, #tpu.memory_space<vmem>> -> memref<1x4x8x1024xf32, #tpu.memory_space<vmem>>
    %dma_start3A_343 = tpu.memref_squeeze %dma_start3A_342 : memref<1x4x8x1024xf32, #tpu.memory_space<vmem>> -> memref<4x8x1024xf32, #tpu.memory_space<vmem>>
    %dma_start3A_344 = arith.constant 0 : i32
    %dma_start3A_345 = arith.constant 0 : i32
    %dma_start3A_346 = tpu.memref_slice %arg2[%dma_start3A_344, %add3A_310, %dma_start3A_345] : memref<4x2048x1024xf32, #tpu.memory_space<hbm>> -> memref<4x8x1024xf32, #tpu.memory_space<hbm>>
    tpu.enqueue_dma source(%dma_start3A_346 : memref<4x8x1024xf32, #tpu.memory_space<hbm>>) target(%dma_start3A_343 : memref<4x8x1024xf32, #tpu.memory_space<vmem>>) target_semaphore(%dma_start3A_338 : memref<!tpu.dma_semaphore, #tpu.memory_space<semaphore_mem>>)
    %dma_wait3A_347 = arith.constant 2 : i32
    %dma_wait3A_348 = arith.constant 2 : i32
    %dma_wait3A_349 = arith.constant 0 : i32
    %dma_wait3A_350 = arith.constant 0 : i32
    %dma_wait3A_351 = tpu.memref_slice %arg6[%dma_wait3A_347, %dma_wait3A_349, %dma_wait3A_350] : memref<3x8x1024xf32, #tpu.memory_space<vmem>> -> memref<1x8x1024xf32, #tpu.memory_space<vmem>>
    %dma_wait3A_352 = tpu.memref_squeeze %dma_wait3A_351 : memref<1x8x1024xf32, #tpu.memory_space<vmem>> -> memref<8x1024xf32, #tpu.memory_space<vmem>>
    %dma_wait3A_353 = arith.constant 0 : i32
    %dma_wait3A_354 = tpu.memref_slice %arg3[%add3A_79, %dma_wait3A_353] : memref<2048x1024xf32, #tpu.memory_space<hbm>> -> memref<8x1024xf32, #tpu.memory_space<hbm>>
    %dma_wait3A_355 = tpu.memref_slice %arg8[%dma_wait3A_348] : memref<3x!tpu.dma_semaphore, #tpu.memory_space<semaphore_mem>> -> memref<1x!tpu.dma_semaphore, #tpu.memory_space<semaphore_mem>>
    %dma_wait3A_356 = tpu.memref_squeeze %dma_wait3A_355 : memref<1x!tpu.dma_semaphore, #tpu.memory_space<semaphore_mem>> -> memref<!tpu.dma_semaphore, #tpu.memory_space<semaphore_mem>>
    %dma_wait3A_357 = arith.constant 0 : i32
    %dma_wait3A_358 = arith.constant 0 : i32
    %dma_wait3A_359 = tpu.memref_slice %arg6[%dma_wait3A_347, %dma_wait3A_357, %dma_wait3A_358] : memref<3x8x1024xf32, #tpu.memory_space<vmem>> -> memref<1x8x1024xf32, #tpu.memory_space<vmem>>
    %dma_wait3A_360 = tpu.memref_squeeze %dma_wait3A_359 : memref<1x8x1024xf32, #tpu.memory_space<vmem>> -> memref<8x1024xf32, #tpu.memory_space<vmem>>
    %dma_wait3A_361 = arith.constant 0 : i32
    %dma_wait3A_362 = tpu.memref_slice %arg3[%add3A_79, %dma_wait3A_361] : memref<2048x1024xf32, #tpu.memory_space<hbm>> -> memref<8x1024xf32, #tpu.memory_space<hbm>>
    tpu.wait_dma2 semaphore(%dma_wait3A_356 : memref<!tpu.dma_semaphore, #tpu.memory_space<semaphore_mem>>) src(%dma_wait3A_362 : memref<8x1024xf32, #tpu.memory_space<hbm>>) dst(%dma_wait3A_360 : memref<8x1024xf32, #tpu.memory_space<vmem>>)
    %dma_wait3A_363 = arith.constant 2 : i32
    %dma_wait3A_364 = arith.constant 2 : i32
    %dma_wait3A_365 = arith.constant 0 : i32
    %dma_wait3A_366 = arith.constant 0 : i32
    %dma_wait3A_367 = arith.constant 0 : i32
    %dma_wait3A_368 = tpu.memref_slice %arg5[%dma_wait3A_363, %dma_wait3A_365, %dma_wait3A_366, %dma_wait3A_367] : memref<3x4x8x1024xf32, #tpu.memory_space<vmem>> -> memref<1x4x8x1024xf32, #tpu.memory_space<vmem>>
    %dma_wait3A_369 = tpu.memref_squeeze %dma_wait3A_368 : memref<1x4x8x1024xf32, #tpu.memory_space<vmem>> -> memref<4x8x1024xf32, #tpu.memory_space<vmem>>
    %dma_wait3A_370 = arith.constant 0 : i32
    %dma_wait3A_371 = arith.constant 0 : i32
    %dma_wait3A_372 = tpu.memref_slice %arg2[%dma_wait3A_370, %add3A_79, %dma_wait3A_371] : memref<4x2048x1024xf32, #tpu.memory_space<hbm>> -> memref<4x8x1024xf32, #tpu.memory_space<hbm>>
    %dma_wait3A_373 = tpu.memref_slice %arg7[%dma_wait3A_364] : memref<3x!tpu.dma_semaphore, #tpu.memory_space<semaphore_mem>> -> memref<1x!tpu.dma_semaphore, #tpu.memory_space<semaphore_mem>>
    %dma_wait3A_374 = tpu.memref_squeeze %dma_wait3A_373 : memref<1x!tpu.dma_semaphore, #tpu.memory_space<semaphore_mem>> -> memref<!tpu.dma_semaphore, #tpu.memory_space<semaphore_mem>>
    %dma_wait3A_375 = arith.constant 0 : i32
    %dma_wait3A_376 = arith.constant 0 : i32
    %dma_wait3A_377 = arith.constant 0 : i32
    %dma_wait3A_378 = tpu.memref_slice %arg5[%dma_wait3A_363, %dma_wait3A_375, %dma_wait3A_376, %dma_wait3A_377] : memref<3x4x8x1024xf32, #tpu.memory_space<vmem>> -> memref<1x4x8x1024xf32, #tpu.memory_space<vmem>>
    %dma_wait3A_379 = tpu.memref_squeeze %dma_wait3A_378 : memref<1x4x8x1024xf32, #tpu.memory_space<vmem>> -> memref<4x8x1024xf32, #tpu.memory_space<vmem>>
    %dma_wait3A_380 = arith.constant 0 : i32
    %dma_wait3A_381 = arith.constant 0 : i32
    %dma_wait3A_382 = tpu.memref_slice %arg2[%dma_wait3A_380, %add3A_79, %dma_wait3A_381] : memref<4x2048x1024xf32, #tpu.memory_space<hbm>> -> memref<4x8x1024xf32, #tpu.memory_space<hbm>>
    tpu.wait_dma2 semaphore(%dma_wait3A_374 : memref<!tpu.dma_semaphore, #tpu.memory_space<semaphore_mem>>) src(%dma_wait3A_382 : memref<4x8x1024xf32, #tpu.memory_space<hbm>>) dst(%dma_wait3A_379 : memref<4x8x1024xf32, #tpu.memory_space<vmem>>)
    %add3A_383 = arith.constant 16 : i32
    %add3A_384 = arith.addi %mul3A_2, %add3A_383 : i32
    %dma_start3A_385 = arith.constant 2 : i32
    %dma_start3A_386 = arith.constant 2 : i32
    %dma_start3A_387 = arith.constant 0 : i32
    %dma_start3A_388 = arith.constant 0 : i32
    %dma_start3A_389 = arith.constant 0 : i32
    %dma_start3A_390 = tpu.memref_slice %arg5[%dma_start3A_385, %dma_start3A_387, %dma_start3A_388, %dma_start3A_389] : memref<3x4x8x1024xf32, #tpu.memory_space<vmem>> -> memref<1x4x8x1024xf32, #tpu.memory_space<vmem>>
    %dma_start3A_391 = tpu.memref_squeeze %dma_start3A_390 : memref<1x4x8x1024xf32, #tpu.memory_space<vmem>> -> memref<4x8x1024xf32, #tpu.memory_space<vmem>>
    %dma_start3A_392 = arith.constant 0 : i32
    %dma_start3A_393 = arith.constant 0 : i32
    %dma_start3A_394 = tpu.memref_slice %arg4[%dma_start3A_392, %add3A_384, %dma_start3A_393] : memref<4x2048x1024xf32, #tpu.memory_space<hbm>> -> memref<4x8x1024xf32, #tpu.memory_space<hbm>>
    %dma_start3A_395 = tpu.memref_slice %arg9[%dma_start3A_386] : memref<3x!tpu.dma_semaphore, #tpu.memory_space<semaphore_mem>> -> memref<1x!tpu.dma_semaphore, #tpu.memory_space<semaphore_mem>>
    %dma_start3A_396 = tpu.memref_squeeze %dma_start3A_395 : memref<1x!tpu.dma_semaphore, #tpu.memory_space<semaphore_mem>> -> memref<!tpu.dma_semaphore, #tpu.memory_space<semaphore_mem>>
    %dma_start3A_397 = arith.constant 0 : i32
    %dma_start3A_398 = arith.constant 0 : i32
    %dma_start3A_399 = tpu.memref_slice %arg4[%dma_start3A_397, %add3A_384, %dma_start3A_398] : memref<4x2048x1024xf32, #tpu.memory_space<hbm>> -> memref<4x8x1024xf32, #tpu.memory_space<hbm>>
    %dma_start3A_400 = arith.constant 0 : i32
    %dma_start3A_401 = arith.constant 0 : i32
    %dma_start3A_402 = arith.constant 0 : i32
    %dma_start3A_403 = tpu.memref_slice %arg5[%dma_start3A_385, %dma_start3A_400, %dma_start3A_401, %dma_start3A_402] : memref<3x4x8x1024xf32, #tpu.memory_space<vmem>> -> memref<1x4x8x1024xf32, #tpu.memory_space<vmem>>
    %dma_start3A_404 = tpu.memref_squeeze %dma_start3A_403 : memref<1x4x8x1024xf32, #tpu.memory_space<vmem>> -> memref<4x8x1024xf32, #tpu.memory_space<vmem>>
    tpu.enqueue_dma source(%dma_start3A_404 : memref<4x8x1024xf32, #tpu.memory_space<vmem>>) target(%dma_start3A_399 : memref<4x8x1024xf32, #tpu.memory_space<hbm>>) target_semaphore(%dma_start3A_396 : memref<!tpu.dma_semaphore, #tpu.memory_space<semaphore_mem>>)
    %dma_wait3A_405 = arith.constant 2 : i32
    %dma_wait3A_406 = arith.constant 2 : i32
    %dma_wait3A_407 = arith.constant 0 : i32
    %dma_wait3A_408 = arith.constant 0 : i32
    %dma_wait3A_409 = arith.constant 0 : i32
    %dma_wait3A_410 = tpu.memref_slice %arg5[%dma_wait3A_405, %dma_wait3A_407, %dma_wait3A_408, %dma_wait3A_409] : memref<3x4x8x1024xf32, #tpu.memory_space<vmem>> -> memref<1x4x8x1024xf32, #tpu.memory_space<vmem>>
    %dma_wait3A_411 = tpu.memref_squeeze %dma_wait3A_410 : memref<1x4x8x1024xf32, #tpu.memory_space<vmem>> -> memref<4x8x1024xf32, #tpu.memory_space<vmem>>
    %dma_wait3A_412 = arith.constant 0 : i32
    %dma_wait3A_413 = arith.constant 0 : i32
    %dma_wait3A_414 = tpu.memref_slice %arg4[%dma_wait3A_412, %add3A_384, %dma_wait3A_413] : memref<4x2048x1024xf32, #tpu.memory_space<hbm>> -> memref<4x8x1024xf32, #tpu.memory_space<hbm>>
    %dma_wait3A_415 = tpu.memref_slice %arg9[%dma_wait3A_406] : memref<3x!tpu.dma_semaphore, #tpu.memory_space<semaphore_mem>> -> memref<1x!tpu.dma_semaphore, #tpu.memory_space<semaphore_mem>>
    %dma_wait3A_416 = tpu.memref_squeeze %dma_wait3A_415 : memref<1x!tpu.dma_semaphore, #tpu.memory_space<semaphore_mem>> -> memref<!tpu.dma_semaphore, #tpu.memory_space<semaphore_mem>>
    %dma_wait3A_417 = arith.constant 0 : i32
    %dma_wait3A_418 = arith.constant 0 : i32
    %dma_wait3A_419 = tpu.memref_slice %arg4[%dma_wait3A_417, %add3A_384, %dma_wait3A_418] : memref<4x2048x1024xf32, #tpu.memory_space<hbm>> -> memref<4x8x1024xf32, #tpu.memory_space<hbm>>
    %dma_wait3A_420 = arith.constant 0 : i32
    %dma_wait3A_421 = arith.constant 0 : i32
    %dma_wait3A_422 = arith.constant 0 : i32
    %dma_wait3A_423 = tpu.memref_slice %arg5[%dma_wait3A_405, %dma_wait3A_420, %dma_wait3A_421, %dma_wait3A_422] : memref<3x4x8x1024xf32, #tpu.memory_space<vmem>> -> memref<1x4x8x1024xf32, #tpu.memory_space<vmem>>
    %dma_wait3A_424 = tpu.memref_squeeze %dma_wait3A_423 : memref<1x4x8x1024xf32, #tpu.memory_space<vmem>> -> memref<4x8x1024xf32, #tpu.memory_space<vmem>>
    tpu.wait_dma2 semaphore(%dma_wait3A_416 : memref<!tpu.dma_semaphore, #tpu.memory_space<semaphore_mem>>) src(%dma_wait3A_424 : memref<4x8x1024xf32, #tpu.memory_space<vmem>>) dst(%dma_wait3A_419 : memref<4x8x1024xf32, #tpu.memory_space<hbm>>)
    %add3A_425 = arith.constant 40 : i32
    %add3A_426 = arith.addi %mul3A_2, %add3A_425 : i32
    %dma_start3A_427 = arith.constant 2 : i32
    %dma_start3A_428 = arith.constant 2 : i32
    %dma_start3A_429 = arith.constant 0 : i32
    %dma_start3A_430 = arith.constant 0 : i32
    %dma_start3A_431 = tpu.memref_slice %arg6[%dma_start3A_427, %dma_start3A_429, %dma_start3A_430] : memref<3x8x1024xf32, #tpu.memory_space<vmem>> -> memref<1x8x1024xf32, #tpu.memory_space<vmem>>
    %dma_start3A_432 = tpu.memref_squeeze %dma_start3A_431 : memref<1x8x1024xf32, #tpu.memory_space<vmem>> -> memref<8x1024xf32, #tpu.memory_space<vmem>>
    %dma_start3A_433 = arith.constant 0 : i32
    %dma_start3A_434 = tpu.memref_slice %arg3[%add3A_426, %dma_start3A_433] : memref<2048x1024xf32, #tpu.memory_space<hbm>> -> memref<8x1024xf32, #tpu.memory_space<hbm>>
    %dma_start3A_435 = tpu.memref_slice %arg8[%dma_start3A_428] : memref<3x!tpu.dma_semaphore, #tpu.memory_space<semaphore_mem>> -> memref<1x!tpu.dma_semaphore, #tpu.memory_space<semaphore_mem>>
    %dma_start3A_436 = tpu.memref_squeeze %dma_start3A_435 : memref<1x!tpu.dma_semaphore, #tpu.memory_space<semaphore_mem>> -> memref<!tpu.dma_semaphore, #tpu.memory_space<semaphore_mem>>
    %dma_start3A_437 = arith.constant 0 : i32
    %dma_start3A_438 = arith.constant 0 : i32
    %dma_start3A_439 = tpu.memref_slice %arg6[%dma_start3A_427, %dma_start3A_437, %dma_start3A_438] : memref<3x8x1024xf32, #tpu.memory_space<vmem>> -> memref<1x8x1024xf32, #tpu.memory_space<vmem>>
    %dma_start3A_440 = tpu.memref_squeeze %dma_start3A_439 : memref<1x8x1024xf32, #tpu.memory_space<vmem>> -> memref<8x1024xf32, #tpu.memory_space<vmem>>
    %dma_start3A_441 = arith.constant 0 : i32
    %dma_start3A_442 = tpu.memref_slice %arg3[%add3A_426, %dma_start3A_441] : memref<2048x1024xf32, #tpu.memory_space<hbm>> -> memref<8x1024xf32, #tpu.memory_space<hbm>>
    tpu.enqueue_dma source(%dma_start3A_442 : memref<8x1024xf32, #tpu.memory_space<hbm>>) target(%dma_start3A_440 : memref<8x1024xf32, #tpu.memory_space<vmem>>) target_semaphore(%dma_start3A_436 : memref<!tpu.dma_semaphore, #tpu.memory_space<semaphore_mem>>)
    %dma_start3A_443 = arith.constant 2 : i32
    %dma_start3A_444 = arith.constant 2 : i32
    %dma_start3A_445 = arith.constant 0 : i32
    %dma_start3A_446 = arith.constant 0 : i32
    %dma_start3A_447 = arith.constant 0 : i32
    %dma_start3A_448 = tpu.memref_slice %arg5[%dma_start3A_443, %dma_start3A_445, %dma_start3A_446, %dma_start3A_447] : memref<3x4x8x1024xf32, #tpu.memory_space<vmem>> -> memref<1x4x8x1024xf32, #tpu.memory_space<vmem>>
    %dma_start3A_449 = tpu.memref_squeeze %dma_start3A_448 : memref<1x4x8x1024xf32, #tpu.memory_space<vmem>> -> memref<4x8x1024xf32, #tpu.memory_space<vmem>>
    %dma_start3A_450 = arith.constant 0 : i32
    %dma_start3A_451 = arith.constant 0 : i32
    %dma_start3A_452 = tpu.memref_slice %arg2[%dma_start3A_450, %add3A_426, %dma_start3A_451] : memref<4x2048x1024xf32, #tpu.memory_space<hbm>> -> memref<4x8x1024xf32, #tpu.memory_space<hbm>>
    %dma_start3A_453 = tpu.memref_slice %arg7[%dma_start3A_444] : memref<3x!tpu.dma_semaphore, #tpu.memory_space<semaphore_mem>> -> memref<1x!tpu.dma_semaphore, #tpu.memory_space<semaphore_mem>>
    %dma_start3A_454 = tpu.memref_squeeze %dma_start3A_453 : memref<1x!tpu.dma_semaphore, #tpu.memory_space<semaphore_mem>> -> memref<!tpu.dma_semaphore, #tpu.memory_space<semaphore_mem>>
    %dma_start3A_455 = arith.constant 0 : i32
    %dma_start3A_456 = arith.constant 0 : i32
    %dma_start3A_457 = arith.constant 0 : i32
    %dma_start3A_458 = tpu.memref_slice %arg5[%dma_start3A_443, %dma_start3A_455, %dma_start3A_456, %dma_start3A_457] : memref<3x4x8x1024xf32, #tpu.memory_space<vmem>> -> memref<1x4x8x1024xf32, #tpu.memory_space<vmem>>
    %dma_start3A_459 = tpu.memref_squeeze %dma_start3A_458 : memref<1x4x8x1024xf32, #tpu.memory_space<vmem>> -> memref<4x8x1024xf32, #tpu.memory_space<vmem>>
    %dma_start3A_460 = arith.constant 0 : i32
    %dma_start3A_461 = arith.constant 0 : i32
    %dma_start3A_462 = tpu.memref_slice %arg2[%dma_start3A_460, %add3A_426, %dma_start3A_461] : memref<4x2048x1024xf32, #tpu.memory_space<hbm>> -> memref<4x8x1024xf32, #tpu.memory_space<hbm>>
    tpu.enqueue_dma source(%dma_start3A_462 : memref<4x8x1024xf32, #tpu.memory_space<hbm>>) target(%dma_start3A_459 : memref<4x8x1024xf32, #tpu.memory_space<vmem>>) target_semaphore(%dma_start3A_454 : memref<!tpu.dma_semaphore, #tpu.memory_space<semaphore_mem>>)
    %dma_wait3A_463 = arith.constant 0 : i32
    %dma_wait3A_464 = arith.constant 0 : i32
    %dma_wait3A_465 = arith.constant 0 : i32
    %dma_wait3A_466 = arith.constant 0 : i32
    %dma_wait3A_467 = tpu.memref_slice %arg6[%dma_wait3A_463, %dma_wait3A_465, %dma_wait3A_466] : memref<3x8x1024xf32, #tpu.memory_space<vmem>> -> memref<1x8x1024xf32, #tpu.memory_space<vmem>>
    %dma_wait3A_468 = tpu.memref_squeeze %dma_wait3A_467 : memref<1x8x1024xf32, #tpu.memory_space<vmem>> -> memref<8x1024xf32, #tpu.memory_space<vmem>>
    %dma_wait3A_469 = arith.constant 0 : i32
    %dma_wait3A_470 = tpu.memref_slice %arg3[%add3A_194, %dma_wait3A_469] : memref<2048x1024xf32, #tpu.memory_space<hbm>> -> memref<8x1024xf32, #tpu.memory_space<hbm>>
    %dma_wait3A_471 = tpu.memref_slice %arg8[%dma_wait3A_464] : memref<3x!tpu.dma_semaphore, #tpu.memory_space<semaphore_mem>> -> memref<1x!tpu.dma_semaphore, #tpu.memory_space<semaphore_mem>>
    %dma_wait3A_472 = tpu.memref_squeeze %dma_wait3A_471 : memref<1x!tpu.dma_semaphore, #tpu.memory_space<semaphore_mem>> -> memref<!tpu.dma_semaphore, #tpu.memory_space<semaphore_mem>>
    %dma_wait3A_473 = arith.constant 0 : i32
    %dma_wait3A_474 = arith.constant 0 : i32
    %dma_wait3A_475 = tpu.memref_slice %arg6[%dma_wait3A_463, %dma_wait3A_473, %dma_wait3A_474] : memref<3x8x1024xf32, #tpu.memory_space<vmem>> -> memref<1x8x1024xf32, #tpu.memory_space<vmem>>
    %dma_wait3A_476 = tpu.memref_squeeze %dma_wait3A_475 : memref<1x8x1024xf32, #tpu.memory_space<vmem>> -> memref<8x1024xf32, #tpu.memory_space<vmem>>
    %dma_wait3A_477 = arith.constant 0 : i32
    %dma_wait3A_478 = tpu.memref_slice %arg3[%add3A_194, %dma_wait3A_477] : memref<2048x1024xf32, #tpu.memory_space<hbm>> -> memref<8x1024xf32, #tpu.memory_space<hbm>>
    tpu.wait_dma2 semaphore(%dma_wait3A_472 : memref<!tpu.dma_semaphore, #tpu.memory_space<semaphore_mem>>) src(%dma_wait3A_478 : memref<8x1024xf32, #tpu.memory_space<hbm>>) dst(%dma_wait3A_476 : memref<8x1024xf32, #tpu.memory_space<vmem>>)
    %dma_wait3A_479 = arith.constant 0 : i32
    %dma_wait3A_480 = arith.constant 0 : i32
    %dma_wait3A_481 = arith.constant 0 : i32
    %dma_wait3A_482 = arith.constant 0 : i32
    %dma_wait3A_483 = arith.constant 0 : i32
    %dma_wait3A_484 = tpu.memref_slice %arg5[%dma_wait3A_479, %dma_wait3A_481, %dma_wait3A_482, %dma_wait3A_483] : memref<3x4x8x1024xf32, #tpu.memory_space<vmem>> -> memref<1x4x8x1024xf32, #tpu.memory_space<vmem>>
    %dma_wait3A_485 = tpu.memref_squeeze %dma_wait3A_484 : memref<1x4x8x1024xf32, #tpu.memory_space<vmem>> -> memref<4x8x1024xf32, #tpu.memory_space<vmem>>
    %dma_wait3A_486 = arith.constant 0 : i32
    %dma_wait3A_487 = arith.constant 0 : i32
    %dma_wait3A_488 = tpu.memref_slice %arg2[%dma_wait3A_486, %add3A_194, %dma_wait3A_487] : memref<4x2048x1024xf32, #tpu.memory_space<hbm>> -> memref<4x8x1024xf32, #tpu.memory_space<hbm>>
    %dma_wait3A_489 = tpu.memref_slice %arg7[%dma_wait3A_480] : memref<3x!tpu.dma_semaphore, #tpu.memory_space<semaphore_mem>> -> memref<1x!tpu.dma_semaphore, #tpu.memory_space<semaphore_mem>>
    %dma_wait3A_490 = tpu.memref_squeeze %dma_wait3A_489 : memref<1x!tpu.dma_semaphore, #tpu.memory_space<semaphore_mem>> -> memref<!tpu.dma_semaphore, #tpu.memory_space<semaphore_mem>>
    %dma_wait3A_491 = arith.constant 0 : i32
    %dma_wait3A_492 = arith.constant 0 : i32
    %dma_wait3A_493 = arith.constant 0 : i32
    %dma_wait3A_494 = tpu.memref_slice %arg5[%dma_wait3A_479, %dma_wait3A_491, %dma_wait3A_492, %dma_wait3A_493] : memref<3x4x8x1024xf32, #tpu.memory_space<vmem>> -> memref<1x4x8x1024xf32, #tpu.memory_space<vmem>>
    %dma_wait3A_495 = tpu.memref_squeeze %dma_wait3A_494 : memref<1x4x8x1024xf32, #tpu.memory_space<vmem>> -> memref<4x8x1024xf32, #tpu.memory_space<vmem>>
    %dma_wait3A_496 = arith.constant 0 : i32
    %dma_wait3A_497 = arith.constant 0 : i32
    %dma_wait3A_498 = tpu.memref_slice %arg2[%dma_wait3A_496, %add3A_194, %dma_wait3A_497] : memref<4x2048x1024xf32, #tpu.memory_space<hbm>> -> memref<4x8x1024xf32, #tpu.memory_space<hbm>>
    tpu.wait_dma2 semaphore(%dma_wait3A_490 : memref<!tpu.dma_semaphore, #tpu.memory_space<semaphore_mem>>) src(%dma_wait3A_498 : memref<4x8x1024xf32, #tpu.memory_space<hbm>>) dst(%dma_wait3A_495 : memref<4x8x1024xf32, #tpu.memory_space<vmem>>)
    %add3A_499 = arith.constant 24 : i32
    %add3A_500 = arith.addi %mul3A_2, %add3A_499 : i32
    %dma_start3A_501 = arith.constant 0 : i32
    %dma_start3A_502 = arith.constant 0 : i32
    %dma_start3A_503 = arith.constant 0 : i32
    %dma_start3A_504 = arith.constant 0 : i32
    %dma_start3A_505 = arith.constant 0 : i32
    %dma_start3A_506 = tpu.memref_slice %arg5[%dma_start3A_501, %dma_start3A_503, %dma_start3A_504, %dma_start3A_505] : memref<3x4x8x1024xf32, #tpu.memory_space<vmem>> -> memref<1x4x8x1024xf32, #tpu.memory_space<vmem>>
    %dma_start3A_507 = tpu.memref_squeeze %dma_start3A_506 : memref<1x4x8x1024xf32, #tpu.memory_space<vmem>> -> memref<4x8x1024xf32, #tpu.memory_space<vmem>>
    %dma_start3A_508 = arith.constant 0 : i32
    %dma_start3A_509 = arith.constant 0 : i32
    %dma_start3A_510 = tpu.memref_slice %arg4[%dma_start3A_508, %add3A_500, %dma_start3A_509] : memref<4x2048x1024xf32, #tpu.memory_space<hbm>> -> memref<4x8x1024xf32, #tpu.memory_space<hbm>>
    %dma_start3A_511 = tpu.memref_slice %arg9[%dma_start3A_502] : memref<3x!tpu.dma_semaphore, #tpu.memory_space<semaphore_mem>> -> memref<1x!tpu.dma_semaphore, #tpu.memory_space<semaphore_mem>>
    %dma_start3A_512 = tpu.memref_squeeze %dma_start3A_511 : memref<1x!tpu.dma_semaphore, #tpu.memory_space<semaphore_mem>> -> memref<!tpu.dma_semaphore, #tpu.memory_space<semaphore_mem>>
    %dma_start3A_513 = arith.constant 0 : i32
    %dma_start3A_514 = arith.constant 0 : i32
    %dma_start3A_515 = tpu.memref_slice %arg4[%dma_start3A_513, %add3A_500, %dma_start3A_514] : memref<4x2048x1024xf32, #tpu.memory_space<hbm>> -> memref<4x8x1024xf32, #tpu.memory_space<hbm>>
    %dma_start3A_516 = arith.constant 0 : i32
    %dma_start3A_517 = arith.constant 0 : i32
    %dma_start3A_518 = arith.constant 0 : i32
    %dma_start3A_519 = tpu.memref_slice %arg5[%dma_start3A_501, %dma_start3A_516, %dma_start3A_517, %dma_start3A_518] : memref<3x4x8x1024xf32, #tpu.memory_space<vmem>> -> memref<1x4x8x1024xf32, #tpu.memory_space<vmem>>
    %dma_start3A_520 = tpu.memref_squeeze %dma_start3A_519 : memref<1x4x8x1024xf32, #tpu.memory_space<vmem>> -> memref<4x8x1024xf32, #tpu.memory_space<vmem>>
    tpu.enqueue_dma source(%dma_start3A_520 : memref<4x8x1024xf32, #tpu.memory_space<vmem>>) target(%dma_start3A_515 : memref<4x8x1024xf32, #tpu.memory_space<hbm>>) target_semaphore(%dma_start3A_512 : memref<!tpu.dma_semaphore, #tpu.memory_space<semaphore_mem>>)
    %dma_wait3A_521 = arith.constant 0 : i32
    %dma_wait3A_522 = arith.constant 0 : i32
    %dma_wait3A_523 = arith.constant 0 : i32
    %dma_wait3A_524 = arith.constant 0 : i32
    %dma_wait3A_525 = arith.constant 0 : i32
    %dma_wait3A_526 = tpu.memref_slice %arg5[%dma_wait3A_521, %dma_wait3A_523, %dma_wait3A_524, %dma_wait3A_525] : memref<3x4x8x1024xf32, #tpu.memory_space<vmem>> -> memref<1x4x8x1024xf32, #tpu.memory_space<vmem>>
    %dma_wait3A_527 = tpu.memref_squeeze %dma_wait3A_526 : memref<1x4x8x1024xf32, #tpu.memory_space<vmem>> -> memref<4x8x1024xf32, #tpu.memory_space<vmem>>
    %dma_wait3A_528 = arith.constant 0 : i32
    %dma_wait3A_529 = arith.constant 0 : i32
    %dma_wait3A_530 = tpu.memref_slice %arg4[%dma_wait3A_528, %add3A_500, %dma_wait3A_529] : memref<4x2048x1024xf32, #tpu.memory_space<hbm>> -> memref<4x8x1024xf32, #tpu.memory_space<hbm>>
    %dma_wait3A_531 = tpu.memref_slice %arg9[%dma_wait3A_522] : memref<3x!tpu.dma_semaphore, #tpu.memory_space<semaphore_mem>> -> memref<1x!tpu.dma_semaphore, #tpu.memory_space<semaphore_mem>>
    %dma_wait3A_532 = tpu.memref_squeeze %dma_wait3A_531 : memref<1x!tpu.dma_semaphore, #tpu.memory_space<semaphore_mem>> -> memref<!tpu.dma_semaphore, #tpu.memory_space<semaphore_mem>>
    %dma_wait3A_533 = arith.constant 0 : i32
    %dma_wait3A_534 = arith.constant 0 : i32
    %dma_wait3A_535 = tpu.memref_slice %arg4[%dma_wait3A_533, %add3A_500, %dma_wait3A_534] : memref<4x2048x1024xf32, #tpu.memory_space<hbm>> -> memref<4x8x1024xf32, #tpu.memory_space<hbm>>
    %dma_wait3A_536 = arith.constant 0 : i32
    %dma_wait3A_537 = arith.constant 0 : i32
    %dma_wait3A_538 = arith.constant 0 : i32
    %dma_wait3A_539 = tpu.memref_slice %arg5[%dma_wait3A_521, %dma_wait3A_536, %dma_wait3A_537, %dma_wait3A_538] : memref<3x4x8x1024xf32, #tpu.memory_space<vmem>> -> memref<1x4x8x1024xf32, #tpu.memory_space<vmem>>
    %dma_wait3A_540 = tpu.memref_squeeze %dma_wait3A_539 : memref<1x4x8x1024xf32, #tpu.memory_space<vmem>> -> memref<4x8x1024xf32, #tpu.memory_space<vmem>>
    tpu.wait_dma2 semaphore(%dma_wait3A_532 : memref<!tpu.dma_semaphore, #tpu.memory_space<semaphore_mem>>) src(%dma_wait3A_540 : memref<4x8x1024xf32, #tpu.memory_space<vmem>>) dst(%dma_wait3A_535 : memref<4x8x1024xf32, #tpu.memory_space<hbm>>)
    %add3A_541 = arith.constant 48 : i32
    %add3A_542 = arith.addi %mul3A_2, %add3A_541 : i32
    %dma_start3A_543 = arith.constant 0 : i32
    %dma_start3A_544 = arith.constant 0 : i32
    %dma_start3A_545 = arith.constant 0 : i32
    %dma_start3A_546 = arith.constant 0 : i32
    %dma_start3A_547 = tpu.memref_slice %arg6[%dma_start3A_543, %dma_start3A_545, %dma_start3A_546] : memref<3x8x1024xf32, #tpu.memory_space<vmem>> -> memref<1x8x1024xf32, #tpu.memory_space<vmem>>
    %dma_start3A_548 = tpu.memref_squeeze %dma_start3A_547 : memref<1x8x1024xf32, #tpu.memory_space<vmem>> -> memref<8x1024xf32, #tpu.memory_space<vmem>>
    %dma_start3A_549 = arith.constant 0 : i32
    %dma_start3A_550 = tpu.memref_slice %arg3[%add3A_542, %dma_start3A_549] : memref<2048x1024xf32, #tpu.memory_space<hbm>> -> memref<8x1024xf32, #tpu.memory_space<hbm>>
    %dma_start3A_551 = tpu.memref_slice %arg8[%dma_start3A_544] : memref<3x!tpu.dma_semaphore, #tpu.memory_space<semaphore_mem>> -> memref<1x!tpu.dma_semaphore, #tpu.memory_space<semaphore_mem>>
    %dma_start3A_552 = tpu.memref_squeeze %dma_start3A_551 : memref<1x!tpu.dma_semaphore, #tpu.memory_space<semaphore_mem>> -> memref<!tpu.dma_semaphore, #tpu.memory_space<semaphore_mem>>
    %dma_start3A_553 = arith.constant 0 : i32
    %dma_start3A_554 = arith.constant 0 : i32
    %dma_start3A_555 = tpu.memref_slice %arg6[%dma_start3A_543, %dma_start3A_553, %dma_start3A_554] : memref<3x8x1024xf32, #tpu.memory_space<vmem>> -> memref<1x8x1024xf32, #tpu.memory_space<vmem>>
    %dma_start3A_556 = tpu.memref_squeeze %dma_start3A_555 : memref<1x8x1024xf32, #tpu.memory_space<vmem>> -> memref<8x1024xf32, #tpu.memory_space<vmem>>
    %dma_start3A_557 = arith.constant 0 : i32
    %dma_start3A_558 = tpu.memref_slice %arg3[%add3A_542, %dma_start3A_557] : memref<2048x1024xf32, #tpu.memory_space<hbm>> -> memref<8x1024xf32, #tpu.memory_space<hbm>>
    tpu.enqueue_dma source(%dma_start3A_558 : memref<8x1024xf32, #tpu.memory_space<hbm>>) target(%dma_start3A_556 : memref<8x1024xf32, #tpu.memory_space<vmem>>) target_semaphore(%dma_start3A_552 : memref<!tpu.dma_semaphore, #tpu.memory_space<semaphore_mem>>)
    %dma_start3A_559 = arith.constant 0 : i32
    %dma_start3A_560 = arith.constant 0 : i32
    %dma_start3A_561 = arith.constant 0 : i32
    %dma_start3A_562 = arith.constant 0 : i32
    %dma_start3A_563 = arith.constant 0 : i32
    %dma_start3A_564 = tpu.memref_slice %arg5[%dma_start3A_559, %dma_start3A_561, %dma_start3A_562, %dma_start3A_563] : memref<3x4x8x1024xf32, #tpu.memory_space<vmem>> -> memref<1x4x8x1024xf32, #tpu.memory_space<vmem>>
    %dma_start3A_565 = tpu.memref_squeeze %dma_start3A_564 : memref<1x4x8x1024xf32, #tpu.memory_space<vmem>> -> memref<4x8x1024xf32, #tpu.memory_space<vmem>>
    %dma_start3A_566 = arith.constant 0 : i32
    %dma_start3A_567 = arith.constant 0 : i32
    %dma_start3A_568 = tpu.memref_slice %arg2[%dma_start3A_566, %add3A_542, %dma_start3A_567] : memref<4x2048x1024xf32, #tpu.memory_space<hbm>> -> memref<4x8x1024xf32, #tpu.memory_space<hbm>>
    %dma_start3A_569 = tpu.memref_slice %arg7[%dma_start3A_560] : memref<3x!tpu.dma_semaphore, #tpu.memory_space<semaphore_mem>> -> memref<1x!tpu.dma_semaphore, #tpu.memory_space<semaphore_mem>>
    %dma_start3A_570 = tpu.memref_squeeze %dma_start3A_569 : memref<1x!tpu.dma_semaphore, #tpu.memory_space<semaphore_mem>> -> memref<!tpu.dma_semaphore, #tpu.memory_space<semaphore_mem>>
    %dma_start3A_571 = arith.constant 0 : i32
    %dma_start3A_572 = arith.constant 0 : i32
    %dma_start3A_573 = arith.constant 0 : i32
    %dma_start3A_574 = tpu.memref_slice %arg5[%dma_start3A_559, %dma_start3A_571, %dma_start3A_572, %dma_start3A_573] : memref<3x4x8x1024xf32, #tpu.memory_space<vmem>> -> memref<1x4x8x1024xf32, #tpu.memory_space<vmem>>
    %dma_start3A_575 = tpu.memref_squeeze %dma_start3A_574 : memref<1x4x8x1024xf32, #tpu.memory_space<vmem>> -> memref<4x8x1024xf32, #tpu.memory_space<vmem>>
    %dma_start3A_576 = arith.constant 0 : i32
    %dma_start3A_577 = arith.constant 0 : i32
    %dma_start3A_578 = tpu.memref_slice %arg2[%dma_start3A_576, %add3A_542, %dma_start3A_577] : memref<4x2048x1024xf32, #tpu.memory_space<hbm>> -> memref<4x8x1024xf32, #tpu.memory_space<hbm>>
    tpu.enqueue_dma source(%dma_start3A_578 : memref<4x8x1024xf32, #tpu.memory_space<hbm>>) target(%dma_start3A_575 : memref<4x8x1024xf32, #tpu.memory_space<vmem>>) target_semaphore(%dma_start3A_570 : memref<!tpu.dma_semaphore, #tpu.memory_space<semaphore_mem>>)
    %dma_wait3A_579 = arith.constant 1 : i32
    %dma_wait3A_580 = arith.constant 1 : i32
    %dma_wait3A_581 = arith.constant 0 : i32
    %dma_wait3A_582 = arith.constant 0 : i32
    %dma_wait3A_583 = tpu.memref_slice %arg6[%dma_wait3A_579, %dma_wait3A_581, %dma_wait3A_582] : memref<3x8x1024xf32, #tpu.memory_space<vmem>> -> memref<1x8x1024xf32, #tpu.memory_space<vmem>>
    %dma_wait3A_584 = tpu.memref_squeeze %dma_wait3A_583 : memref<1x8x1024xf32, #tpu.memory_space<vmem>> -> memref<8x1024xf32, #tpu.memory_space<vmem>>
    %dma_wait3A_585 = arith.constant 0 : i32
    %dma_wait3A_586 = tpu.memref_slice %arg3[%add3A_310, %dma_wait3A_585] : memref<2048x1024xf32, #tpu.memory_space<hbm>> -> memref<8x1024xf32, #tpu.memory_space<hbm>>
    %dma_wait3A_587 = tpu.memref_slice %arg8[%dma_wait3A_580] : memref<3x!tpu.dma_semaphore, #tpu.memory_space<semaphore_mem>> -> memref<1x!tpu.dma_semaphore, #tpu.memory_space<semaphore_mem>>
    %dma_wait3A_588 = tpu.memref_squeeze %dma_wait3A_587 : memref<1x!tpu.dma_semaphore, #tpu.memory_space<semaphore_mem>> -> memref<!tpu.dma_semaphore, #tpu.memory_space<semaphore_mem>>
    %dma_wait3A_589 = arith.constant 0 : i32
    %dma_wait3A_590 = arith.constant 0 : i32
    %dma_wait3A_591 = tpu.memref_slice %arg6[%dma_wait3A_579, %dma_wait3A_589, %dma_wait3A_590] : memref<3x8x1024xf32, #tpu.memory_space<vmem>> -> memref<1x8x1024xf32, #tpu.memory_space<vmem>>
    %dma_wait3A_592 = tpu.memref_squeeze %dma_wait3A_591 : memref<1x8x1024xf32, #tpu.memory_space<vmem>> -> memref<8x1024xf32, #tpu.memory_space<vmem>>
    %dma_wait3A_593 = arith.constant 0 : i32
    %dma_wait3A_594 = tpu.memref_slice %arg3[%add3A_310, %dma_wait3A_593] : memref<2048x1024xf32, #tpu.memory_space<hbm>> -> memref<8x1024xf32, #tpu.memory_space<hbm>>
    tpu.wait_dma2 semaphore(%dma_wait3A_588 : memref<!tpu.dma_semaphore, #tpu.memory_space<semaphore_mem>>) src(%dma_wait3A_594 : memref<8x1024xf32, #tpu.memory_space<hbm>>) dst(%dma_wait3A_592 : memref<8x1024xf32, #tpu.memory_space<vmem>>)
    %dma_wait3A_595 = arith.constant 1 : i32
    %dma_wait3A_596 = arith.constant 1 : i32
    %dma_wait3A_597 = arith.constant 0 : i32
    %dma_wait3A_598 = arith.constant 0 : i32
    %dma_wait3A_599 = arith.constant 0 : i32
    %dma_wait3A_600 = tpu.memref_slice %arg5[%dma_wait3A_595, %dma_wait3A_597, %dma_wait3A_598, %dma_wait3A_599] : memref<3x4x8x1024xf32, #tpu.memory_space<vmem>> -> memref<1x4x8x1024xf32, #tpu.memory_space<vmem>>
    %dma_wait3A_601 = tpu.memref_squeeze %dma_wait3A_600 : memref<1x4x8x1024xf32, #tpu.memory_space<vmem>> -> memref<4x8x1024xf32, #tpu.memory_space<vmem>>
    %dma_wait3A_602 = arith.constant 0 : i32
    %dma_wait3A_603 = arith.constant 0 : i32
    %dma_wait3A_604 = tpu.memref_slice %arg2[%dma_wait3A_602, %add3A_310, %dma_wait3A_603] : memref<4x2048x1024xf32, #tpu.memory_space<hbm>> -> memref<4x8x1024xf32, #tpu.memory_space<hbm>>
    %dma_wait3A_605 = tpu.memref_slice %arg7[%dma_wait3A_596] : memref<3x!tpu.dma_semaphore, #tpu.memory_space<semaphore_mem>> -> memref<1x!tpu.dma_semaphore, #tpu.memory_space<semaphore_mem>>
    %dma_wait3A_606 = tpu.memref_squeeze %dma_wait3A_605 : memref<1x!tpu.dma_semaphore, #tpu.memory_space<semaphore_mem>> -> memref<!tpu.dma_semaphore, #tpu.memory_space<semaphore_mem>>
    %dma_wait3A_607 = arith.constant 0 : i32
    %dma_wait3A_608 = arith.constant 0 : i32
    %dma_wait3A_609 = arith.constant 0 : i32
    %dma_wait3A_610 = tpu.memref_slice %arg5[%dma_wait3A_595, %dma_wait3A_607, %dma_wait3A_608, %dma_wait3A_609] : memref<3x4x8x1024xf32, #tpu.memory_space<vmem>> -> memref<1x4x8x1024xf32, #tpu.memory_space<vmem>>
    %dma_wait3A_611 = tpu.memref_squeeze %dma_wait3A_610 : memref<1x4x8x1024xf32, #tpu.memory_space<vmem>> -> memref<4x8x1024xf32, #tpu.memory_space<vmem>>
    %dma_wait3A_612 = arith.constant 0 : i32
    %dma_wait3A_613 = arith.constant 0 : i32
    %dma_wait3A_614 = tpu.memref_slice %arg2[%dma_wait3A_612, %add3A_310, %dma_wait3A_613] : memref<4x2048x1024xf32, #tpu.memory_space<hbm>> -> memref<4x8x1024xf32, #tpu.memory_space<hbm>>
    tpu.wait_dma2 semaphore(%dma_wait3A_606 : memref<!tpu.dma_semaphore, #tpu.memory_space<semaphore_mem>>) src(%dma_wait3A_614 : memref<4x8x1024xf32, #tpu.memory_space<hbm>>) dst(%dma_wait3A_611 : memref<4x8x1024xf32, #tpu.memory_space<vmem>>)
    %add3A_615 = arith.constant 32 : i32
    %add3A_616 = arith.addi %mul3A_2, %add3A_615 : i32
    %dma_start3A_617 = arith.constant 1 : i32
    %dma_start3A_618 = arith.constant 1 : i32
    %dma_start3A_619 = arith.constant 0 : i32
    %dma_start3A_620 = arith.constant 0 : i32
    %dma_start3A_621 = arith.constant 0 : i32
    %dma_start3A_622 = tpu.memref_slice %arg5[%dma_start3A_617, %dma_start3A_619, %dma_start3A_620, %dma_start3A_621] : memref<3x4x8x1024xf32, #tpu.memory_space<vmem>> -> memref<1x4x8x1024xf32, #tpu.memory_space<vmem>>
    %dma_start3A_623 = tpu.memref_squeeze %dma_start3A_622 : memref<1x4x8x1024xf32, #tpu.memory_space<vmem>> -> memref<4x8x1024xf32, #tpu.memory_space<vmem>>
    %dma_start3A_624 = arith.constant 0 : i32
    %dma_start3A_625 = arith.constant 0 : i32
    %dma_start3A_626 = tpu.memref_slice %arg4[%dma_start3A_624, %add3A_616, %dma_start3A_625] : memref<4x2048x1024xf32, #tpu.memory_space<hbm>> -> memref<4x8x1024xf32, #tpu.memory_space<hbm>>
    %dma_start3A_627 = tpu.memref_slice %arg9[%dma_start3A_618] : memref<3x!tpu.dma_semaphore, #tpu.memory_space<semaphore_mem>> -> memref<1x!tpu.dma_semaphore, #tpu.memory_space<semaphore_mem>>
    %dma_start3A_628 = tpu.memref_squeeze %dma_start3A_627 : memref<1x!tpu.dma_semaphore, #tpu.memory_space<semaphore_mem>> -> memref<!tpu.dma_semaphore, #tpu.memory_space<semaphore_mem>>
    %dma_start3A_629 = arith.constant 0 : i32
    %dma_start3A_630 = arith.constant 0 : i32
    %dma_start3A_631 = tpu.memref_slice %arg4[%dma_start3A_629, %add3A_616, %dma_start3A_630] : memref<4x2048x1024xf32, #tpu.memory_space<hbm>> -> memref<4x8x1024xf32, #tpu.memory_space<hbm>>
    %dma_start3A_632 = arith.constant 0 : i32
    %dma_start3A_633 = arith.constant 0 : i32
    %dma_start3A_634 = arith.constant 0 : i32
    %dma_start3A_635 = tpu.memref_slice %arg5[%dma_start3A_617, %dma_start3A_632, %dma_start3A_633, %dma_start3A_634] : memref<3x4x8x1024xf32, #tpu.memory_space<vmem>> -> memref<1x4x8x1024xf32, #tpu.memory_space<vmem>>
    %dma_start3A_636 = tpu.memref_squeeze %dma_start3A_635 : memref<1x4x8x1024xf32, #tpu.memory_space<vmem>> -> memref<4x8x1024xf32, #tpu.memory_space<vmem>>
    tpu.enqueue_dma source(%dma_start3A_636 : memref<4x8x1024xf32, #tpu.memory_space<vmem>>) target(%dma_start3A_631 : memref<4x8x1024xf32, #tpu.memory_space<hbm>>) target_semaphore(%dma_start3A_628 : memref<!tpu.dma_semaphore, #tpu.memory_space<semaphore_mem>>)
    %dma_wait3A_637 = arith.constant 1 : i32
    %dma_wait3A_638 = arith.constant 1 : i32
    %dma_wait3A_639 = arith.constant 0 : i32
    %dma_wait3A_640 = arith.constant 0 : i32
    %dma_wait3A_641 = arith.constant 0 : i32
    %dma_wait3A_642 = tpu.memref_slice %arg5[%dma_wait3A_637, %dma_wait3A_639, %dma_wait3A_640, %dma_wait3A_641] : memref<3x4x8x1024xf32, #tpu.memory_space<vmem>> -> memref<1x4x8x1024xf32, #tpu.memory_space<vmem>>
    %dma_wait3A_643 = tpu.memref_squeeze %dma_wait3A_642 : memref<1x4x8x1024xf32, #tpu.memory_space<vmem>> -> memref<4x8x1024xf32, #tpu.memory_space<vmem>>
    %dma_wait3A_644 = arith.constant 0 : i32
    %dma_wait3A_645 = arith.constant 0 : i32
    %dma_wait3A_646 = tpu.memref_slice %arg4[%dma_wait3A_644, %add3A_616, %dma_wait3A_645] : memref<4x2048x1024xf32, #tpu.memory_space<hbm>> -> memref<4x8x1024xf32, #tpu.memory_space<hbm>>
    %dma_wait3A_647 = tpu.memref_slice %arg9[%dma_wait3A_638] : memref<3x!tpu.dma_semaphore, #tpu.memory_space<semaphore_mem>> -> memref<1x!tpu.dma_semaphore, #tpu.memory_space<semaphore_mem>>
    %dma_wait3A_648 = tpu.memref_squeeze %dma_wait3A_647 : memref<1x!tpu.dma_semaphore, #tpu.memory_space<semaphore_mem>> -> memref<!tpu.dma_semaphore, #tpu.memory_space<semaphore_mem>>
    %dma_wait3A_649 = arith.constant 0 : i32
    %dma_wait3A_650 = arith.constant 0 : i32
    %dma_wait3A_651 = tpu.memref_slice %arg4[%dma_wait3A_649, %add3A_616, %dma_wait3A_650] : memref<4x2048x1024xf32, #tpu.memory_space<hbm>> -> memref<4x8x1024xf32, #tpu.memory_space<hbm>>
    %dma_wait3A_652 = arith.constant 0 : i32
    %dma_wait3A_653 = arith.constant 0 : i32
    %dma_wait3A_654 = arith.constant 0 : i32
    %dma_wait3A_655 = tpu.memref_slice %arg5[%dma_wait3A_637, %dma_wait3A_652, %dma_wait3A_653, %dma_wait3A_654] : memref<3x4x8x1024xf32, #tpu.memory_space<vmem>> -> memref<1x4x8x1024xf32, #tpu.memory_space<vmem>>
    %dma_wait3A_656 = tpu.memref_squeeze %dma_wait3A_655 : memref<1x4x8x1024xf32, #tpu.memory_space<vmem>> -> memref<4x8x1024xf32, #tpu.memory_space<vmem>>
    tpu.wait_dma2 semaphore(%dma_wait3A_648 : memref<!tpu.dma_semaphore, #tpu.memory_space<semaphore_mem>>) src(%dma_wait3A_656 : memref<4x8x1024xf32, #tpu.memory_space<vmem>>) dst(%dma_wait3A_651 : memref<4x8x1024xf32, #tpu.memory_space<hbm>>)
    %add3A_657 = arith.constant 56 : i32
    %add3A_658 = arith.addi %mul3A_2, %add3A_657 : i32
    %dma_start3A_659 = arith.constant 1 : i32
    %dma_start3A_660 = arith.constant 1 : i32
    %dma_start3A_661 = arith.constant 0 : i32
    %dma_start3A_662 = arith.constant 0 : i32
    %dma_start3A_663 = tpu.memref_slice %arg6[%dma_start3A_659, %dma_start3A_661, %dma_start3A_662] : memref<3x8x1024xf32, #tpu.memory_space<vmem>> -> memref<1x8x1024xf32, #tpu.memory_space<vmem>>
    %dma_start3A_664 = tpu.memref_squeeze %dma_start3A_663 : memref<1x8x1024xf32, #tpu.memory_space<vmem>> -> memref<8x1024xf32, #tpu.memory_space<vmem>>
    %dma_start3A_665 = arith.constant 0 : i32
    %dma_start3A_666 = tpu.memref_slice %arg3[%add3A_658, %dma_start3A_665] : memref<2048x1024xf32, #tpu.memory_space<hbm>> -> memref<8x1024xf32, #tpu.memory_space<hbm>>
    %dma_start3A_667 = tpu.memref_slice %arg8[%dma_start3A_660] : memref<3x!tpu.dma_semaphore, #tpu.memory_space<semaphore_mem>> -> memref<1x!tpu.dma_semaphore, #tpu.memory_space<semaphore_mem>>
    %dma_start3A_668 = tpu.memref_squeeze %dma_start3A_667 : memref<1x!tpu.dma_semaphore, #tpu.memory_space<semaphore_mem>> -> memref<!tpu.dma_semaphore, #tpu.memory_space<semaphore_mem>>
    %dma_start3A_669 = arith.constant 0 : i32
    %dma_start3A_670 = arith.constant 0 : i32
    %dma_start3A_671 = tpu.memref_slice %arg6[%dma_start3A_659, %dma_start3A_669, %dma_start3A_670] : memref<3x8x1024xf32, #tpu.memory_space<vmem>> -> memref<1x8x1024xf32, #tpu.memory_space<vmem>>
    %dma_start3A_672 = tpu.memref_squeeze %dma_start3A_671 : memref<1x8x1024xf32, #tpu.memory_space<vmem>> -> memref<8x1024xf32, #tpu.memory_space<vmem>>
    %dma_start3A_673 = arith.constant 0 : i32
    %dma_start3A_674 = tpu.memref_slice %arg3[%add3A_658, %dma_start3A_673] : memref<2048x1024xf32, #tpu.memory_space<hbm>> -> memref<8x1024xf32, #tpu.memory_space<hbm>>
    tpu.enqueue_dma source(%dma_start3A_674 : memref<8x1024xf32, #tpu.memory_space<hbm>>) target(%dma_start3A_672 : memref<8x1024xf32, #tpu.memory_space<vmem>>) target_semaphore(%dma_start3A_668 : memref<!tpu.dma_semaphore, #tpu.memory_space<semaphore_mem>>)
    %dma_start3A_675 = arith.constant 1 : i32
    %dma_start3A_676 = arith.constant 1 : i32
    %dma_start3A_677 = arith.constant 0 : i32
    %dma_start3A_678 = arith.constant 0 : i32
    %dma_start3A_679 = arith.constant 0 : i32
    %dma_start3A_680 = tpu.memref_slice %arg5[%dma_start3A_675, %dma_start3A_677, %dma_start3A_678, %dma_start3A_679] : memref<3x4x8x1024xf32, #tpu.memory_space<vmem>> -> memref<1x4x8x1024xf32, #tpu.memory_space<vmem>>
    %dma_start3A_681 = tpu.memref_squeeze %dma_start3A_680 : memref<1x4x8x1024xf32, #tpu.memory_space<vmem>> -> memref<4x8x1024xf32, #tpu.memory_space<vmem>>
    %dma_start3A_682 = arith.constant 0 : i32
    %dma_start3A_683 = arith.constant 0 : i32
    %dma_start3A_684 = tpu.memref_slice %arg2[%dma_start3A_682, %add3A_658, %dma_start3A_683] : memref<4x2048x1024xf32, #tpu.memory_space<hbm>> -> memref<4x8x1024xf32, #tpu.memory_space<hbm>>
    %dma_start3A_685 = tpu.memref_slice %arg7[%dma_start3A_676] : memref<3x!tpu.dma_semaphore, #tpu.memory_space<semaphore_mem>> -> memref<1x!tpu.dma_semaphore, #tpu.memory_space<semaphore_mem>>
    %dma_start3A_686 = tpu.memref_squeeze %dma_start3A_685 : memref<1x!tpu.dma_semaphore, #tpu.memory_space<semaphore_mem>> -> memref<!tpu.dma_semaphore, #tpu.memory_space<semaphore_mem>>
    %dma_start3A_687 = arith.constant 0 : i32
    %dma_start3A_688 = arith.constant 0 : i32
    %dma_start3A_689 = arith.constant 0 : i32
    %dma_start3A_690 = tpu.memref_slice %arg5[%dma_start3A_675, %dma_start3A_687, %dma_start3A_688, %dma_start3A_689] : memref<3x4x8x1024xf32, #tpu.memory_space<vmem>> -> memref<1x4x8x1024xf32, #tpu.memory_space<vmem>>
    %dma_start3A_691 = tpu.memref_squeeze %dma_start3A_690 : memref<1x4x8x1024xf32, #tpu.memory_space<vmem>> -> memref<4x8x1024xf32, #tpu.memory_space<vmem>>
    %dma_start3A_692 = arith.constant 0 : i32
    %dma_start3A_693 = arith.constant 0 : i32
    %dma_start3A_694 = tpu.memref_slice %arg2[%dma_start3A_692, %add3A_658, %dma_start3A_693] : memref<4x2048x1024xf32, #tpu.memory_space<hbm>> -> memref<4x8x1024xf32, #tpu.memory_space<hbm>>
    tpu.enqueue_dma source(%dma_start3A_694 : memref<4x8x1024xf32, #tpu.memory_space<hbm>>) target(%dma_start3A_691 : memref<4x8x1024xf32, #tpu.memory_space<vmem>>) target_semaphore(%dma_start3A_686 : memref<!tpu.dma_semaphore, #tpu.memory_space<semaphore_mem>>)
    %dma_wait3A_695 = arith.constant 2 : i32
    %dma_wait3A_696 = arith.constant 2 : i32
    %dma_wait3A_697 = arith.constant 0 : i32
    %dma_wait3A_698 = arith.constant 0 : i32
    %dma_wait3A_699 = tpu.memref_slice %arg6[%dma_wait3A_695, %dma_wait3A_697, %dma_wait3A_698] : memref<3x8x1024xf32, #tpu.memory_space<vmem>> -> memref<1x8x1024xf32, #tpu.memory_space<vmem>>
    %dma_wait3A_700 = tpu.memref_squeeze %dma_wait3A_699 : memref<1x8x1024xf32, #tpu.memory_space<vmem>> -> memref<8x1024xf32, #tpu.memory_space<vmem>>
    %dma_wait3A_701 = arith.constant 0 : i32
    %dma_wait3A_702 = tpu.memref_slice %arg3[%add3A_426, %dma_wait3A_701] : memref<2048x1024xf32, #tpu.memory_space<hbm>> -> memref<8x1024xf32, #tpu.memory_space<hbm>>
    %dma_wait3A_703 = tpu.memref_slice %arg8[%dma_wait3A_696] : memref<3x!tpu.dma_semaphore, #tpu.memory_space<semaphore_mem>> -> memref<1x!tpu.dma_semaphore, #tpu.memory_space<semaphore_mem>>
    %dma_wait3A_704 = tpu.memref_squeeze %dma_wait3A_703 : memref<1x!tpu.dma_semaphore, #tpu.memory_space<semaphore_mem>> -> memref<!tpu.dma_semaphore, #tpu.memory_space<semaphore_mem>>
    %dma_wait3A_705 = arith.constant 0 : i32
    %dma_wait3A_706 = arith.constant 0 : i32
    %dma_wait3A_707 = tpu.memref_slice %arg6[%dma_wait3A_695, %dma_wait3A_705, %dma_wait3A_706] : memref<3x8x1024xf32, #tpu.memory_space<vmem>> -> memref<1x8x1024xf32, #tpu.memory_space<vmem>>
    %dma_wait3A_708 = tpu.memref_squeeze %dma_wait3A_707 : memref<1x8x1024xf32, #tpu.memory_space<vmem>> -> memref<8x1024xf32, #tpu.memory_space<vmem>>
    %dma_wait3A_709 = arith.constant 0 : i32
    %dma_wait3A_710 = tpu.memref_slice %arg3[%add3A_426, %dma_wait3A_709] : memref<2048x1024xf32, #tpu.memory_space<hbm>> -> memref<8x1024xf32, #tpu.memory_space<hbm>>
    tpu.wait_dma2 semaphore(%dma_wait3A_704 : memref<!tpu.dma_semaphore, #tpu.memory_space<semaphore_mem>>) src(%dma_wait3A_710 : memref<8x1024xf32, #tpu.memory_space<hbm>>) dst(%dma_wait3A_708 : memref<8x1024xf32, #tpu.memory_space<vmem>>)
    %dma_wait3A_711 = arith.constant 2 : i32
    %dma_wait3A_712 = arith.constant 2 : i32
    %dma_wait3A_713 = arith.constant 0 : i32
    %dma_wait3A_714 = arith.constant 0 : i32
    %dma_wait3A_715 = arith.constant 0 : i32
    %dma_wait3A_716 = tpu.memref_slice %arg5[%dma_wait3A_711, %dma_wait3A_713, %dma_wait3A_714, %dma_wait3A_715] : memref<3x4x8x1024xf32, #tpu.memory_space<vmem>> -> memref<1x4x8x1024xf32, #tpu.memory_space<vmem>>
    %dma_wait3A_717 = tpu.memref_squeeze %dma_wait3A_716 : memref<1x4x8x1024xf32, #tpu.memory_space<vmem>> -> memref<4x8x1024xf32, #tpu.memory_space<vmem>>
    %dma_wait3A_718 = arith.constant 0 : i32
    %dma_wait3A_719 = arith.constant 0 : i32
    %dma_wait3A_720 = tpu.memref_slice %arg2[%dma_wait3A_718, %add3A_426, %dma_wait3A_719] : memref<4x2048x1024xf32, #tpu.memory_space<hbm>> -> memref<4x8x1024xf32, #tpu.memory_space<hbm>>
    %dma_wait3A_721 = tpu.memref_slice %arg7[%dma_wait3A_712] : memref<3x!tpu.dma_semaphore, #tpu.memory_space<semaphore_mem>> -> memref<1x!tpu.dma_semaphore, #tpu.memory_space<semaphore_mem>>
    %dma_wait3A_722 = tpu.memref_squeeze %dma_wait3A_721 : memref<1x!tpu.dma_semaphore, #tpu.memory_space<semaphore_mem>> -> memref<!tpu.dma_semaphore, #tpu.memory_space<semaphore_mem>>
    %dma_wait3A_723 = arith.constant 0 : i32
    %dma_wait3A_724 = arith.constant 0 : i32
    %dma_wait3A_725 = arith.constant 0 : i32
    %dma_wait3A_726 = tpu.memref_slice %arg5[%dma_wait3A_711, %dma_wait3A_723, %dma_wait3A_724, %dma_wait3A_725] : memref<3x4x8x1024xf32, #tpu.memory_space<vmem>> -> memref<1x4x8x1024xf32, #tpu.memory_space<vmem>>
    %dma_wait3A_727 = tpu.memref_squeeze %dma_wait3A_726 : memref<1x4x8x1024xf32, #tpu.memory_space<vmem>> -> memref<4x8x1024xf32, #tpu.memory_space<vmem>>
    %dma_wait3A_728 = arith.constant 0 : i32
    %dma_wait3A_729 = arith.constant 0 : i32
    %dma_wait3A_730 = tpu.memref_slice %arg2[%dma_wait3A_728, %add3A_426, %dma_wait3A_729] : memref<4x2048x1024xf32, #tpu.memory_space<hbm>> -> memref<4x8x1024xf32, #tpu.memory_space<hbm>>
    tpu.wait_dma2 semaphore(%dma_wait3A_722 : memref<!tpu.dma_semaphore, #tpu.memory_space<semaphore_mem>>) src(%dma_wait3A_730 : memref<4x8x1024xf32, #tpu.memory_space<hbm>>) dst(%dma_wait3A_727 : memref<4x8x1024xf32, #tpu.memory_space<vmem>>)
    %add3A_731 = arith.constant 40 : i32
    %add3A_732 = arith.addi %mul3A_2, %add3A_731 : i32
    %dma_start3A_733 = arith.constant 2 : i32
    %dma_start3A_734 = arith.constant 2 : i32
    %dma_start3A_735 = arith.constant 0 : i32
    %dma_start3A_736 = arith.constant 0 : i32
    %dma_start3A_737 = arith.constant 0 : i32
    %dma_start3A_738 = tpu.memref_slice %arg5[%dma_start3A_733, %dma_start3A_735, %dma_start3A_736, %dma_start3A_737] : memref<3x4x8x1024xf32, #tpu.memory_space<vmem>> -> memref<1x4x8x1024xf32, #tpu.memory_space<vmem>>
    %dma_start3A_739 = tpu.memref_squeeze %dma_start3A_738 : memref<1x4x8x1024xf32, #tpu.memory_space<vmem>> -> memref<4x8x1024xf32, #tpu.memory_space<vmem>>
    %dma_start3A_740 = arith.constant 0 : i32
    %dma_start3A_741 = arith.constant 0 : i32
    %dma_start3A_742 = tpu.memref_slice %arg4[%dma_start3A_740, %add3A_732, %dma_start3A_741] : memref<4x2048x1024xf32, #tpu.memory_space<hbm>> -> memref<4x8x1024xf32, #tpu.memory_space<hbm>>
    %dma_start3A_743 = tpu.memref_slice %arg9[%dma_start3A_734] : memref<3x!tpu.dma_semaphore, #tpu.memory_space<semaphore_mem>> -> memref<1x!tpu.dma_semaphore, #tpu.memory_space<semaphore_mem>>
    %dma_start3A_744 = tpu.memref_squeeze %dma_start3A_743 : memref<1x!tpu.dma_semaphore, #tpu.memory_space<semaphore_mem>> -> memref<!tpu.dma_semaphore, #tpu.memory_space<semaphore_mem>>
    %dma_start3A_745 = arith.constant 0 : i32
    %dma_start3A_746 = arith.constant 0 : i32
    %dma_start3A_747 = tpu.memref_slice %arg4[%dma_start3A_745, %add3A_732, %dma_start3A_746] : memref<4x2048x1024xf32, #tpu.memory_space<hbm>> -> memref<4x8x1024xf32, #tpu.memory_space<hbm>>
    %dma_start3A_748 = arith.constant 0 : i32
    %dma_start3A_749 = arith.constant 0 : i32
    %dma_start3A_750 = arith.constant 0 : i32
    %dma_start3A_751 = tpu.memref_slice %arg5[%dma_start3A_733, %dma_start3A_748, %dma_start3A_749, %dma_start3A_750] : memref<3x4x8x1024xf32, #tpu.memory_space<vmem>> -> memref<1x4x8x1024xf32, #tpu.memory_space<vmem>>
    %dma_start3A_752 = tpu.memref_squeeze %dma_start3A_751 : memref<1x4x8x1024xf32, #tpu.memory_space<vmem>> -> memref<4x8x1024xf32, #tpu.memory_space<vmem>>
    tpu.enqueue_dma source(%dma_start3A_752 : memref<4x8x1024xf32, #tpu.memory_space<vmem>>) target(%dma_start3A_747 : memref<4x8x1024xf32, #tpu.memory_space<hbm>>) target_semaphore(%dma_start3A_744 : memref<!tpu.dma_semaphore, #tpu.memory_space<semaphore_mem>>)
    %dma_wait3A_753 = arith.constant 0 : i32
    %dma_wait3A_754 = arith.constant 0 : i32
    %dma_wait3A_755 = arith.constant 0 : i32
    %dma_wait3A_756 = arith.constant 0 : i32
    %dma_wait3A_757 = tpu.memref_slice %arg6[%dma_wait3A_753, %dma_wait3A_755, %dma_wait3A_756] : memref<3x8x1024xf32, #tpu.memory_space<vmem>> -> memref<1x8x1024xf32, #tpu.memory_space<vmem>>
    %dma_wait3A_758 = tpu.memref_squeeze %dma_wait3A_757 : memref<1x8x1024xf32, #tpu.memory_space<vmem>> -> memref<8x1024xf32, #tpu.memory_space<vmem>>
    %dma_wait3A_759 = arith.constant 0 : i32
    %dma_wait3A_760 = tpu.memref_slice %arg3[%add3A_542, %dma_wait3A_759] : memref<2048x1024xf32, #tpu.memory_space<hbm>> -> memref<8x1024xf32, #tpu.memory_space<hbm>>
    %dma_wait3A_761 = tpu.memref_slice %arg8[%dma_wait3A_754] : memref<3x!tpu.dma_semaphore, #tpu.memory_space<semaphore_mem>> -> memref<1x!tpu.dma_semaphore, #tpu.memory_space<semaphore_mem>>
    %dma_wait3A_762 = tpu.memref_squeeze %dma_wait3A_761 : memref<1x!tpu.dma_semaphore, #tpu.memory_space<semaphore_mem>> -> memref<!tpu.dma_semaphore, #tpu.memory_space<semaphore_mem>>
    %dma_wait3A_763 = arith.constant 0 : i32
    %dma_wait3A_764 = arith.constant 0 : i32
    %dma_wait3A_765 = tpu.memref_slice %arg6[%dma_wait3A_753, %dma_wait3A_763, %dma_wait3A_764] : memref<3x8x1024xf32, #tpu.memory_space<vmem>> -> memref<1x8x1024xf32, #tpu.memory_space<vmem>>
    %dma_wait3A_766 = tpu.memref_squeeze %dma_wait3A_765 : memref<1x8x1024xf32, #tpu.memory_space<vmem>> -> memref<8x1024xf32, #tpu.memory_space<vmem>>
    %dma_wait3A_767 = arith.constant 0 : i32
    %dma_wait3A_768 = tpu.memref_slice %arg3[%add3A_542, %dma_wait3A_767] : memref<2048x1024xf32, #tpu.memory_space<hbm>> -> memref<8x1024xf32, #tpu.memory_space<hbm>>
    tpu.wait_dma2 semaphore(%dma_wait3A_762 : memref<!tpu.dma_semaphore, #tpu.memory_space<semaphore_mem>>) src(%dma_wait3A_768 : memref<8x1024xf32, #tpu.memory_space<hbm>>) dst(%dma_wait3A_766 : memref<8x1024xf32, #tpu.memory_space<vmem>>)
    %dma_wait3A_769 = arith.constant 0 : i32
    %dma_wait3A_770 = arith.constant 0 : i32
    %dma_wait3A_771 = arith.constant 0 : i32
    %dma_wait3A_772 = arith.constant 0 : i32
    %dma_wait3A_773 = arith.constant 0 : i32
    %dma_wait3A_774 = tpu.memref_slice %arg5[%dma_wait3A_769, %dma_wait3A_771, %dma_wait3A_772, %dma_wait3A_773] : memref<3x4x8x1024xf32, #tpu.memory_space<vmem>> -> memref<1x4x8x1024xf32, #tpu.memory_space<vmem>>
    %dma_wait3A_775 = tpu.memref_squeeze %dma_wait3A_774 : memref<1x4x8x1024xf32, #tpu.memory_space<vmem>> -> memref<4x8x1024xf32, #tpu.memory_space<vmem>>
    %dma_wait3A_776 = arith.constant 0 : i32
    %dma_wait3A_777 = arith.constant 0 : i32
    %dma_wait3A_778 = tpu.memref_slice %arg2[%dma_wait3A_776, %add3A_542, %dma_wait3A_777] : memref<4x2048x1024xf32, #tpu.memory_space<hbm>> -> memref<4x8x1024xf32, #tpu.memory_space<hbm>>
    %dma_wait3A_779 = tpu.memref_slice %arg7[%dma_wait3A_770] : memref<3x!tpu.dma_semaphore, #tpu.memory_space<semaphore_mem>> -> memref<1x!tpu.dma_semaphore, #tpu.memory_space<semaphore_mem>>
    %dma_wait3A_780 = tpu.memref_squeeze %dma_wait3A_779 : memref<1x!tpu.dma_semaphore, #tpu.memory_space<semaphore_mem>> -> memref<!tpu.dma_semaphore, #tpu.memory_space<semaphore_mem>>
    %dma_wait3A_781 = arith.constant 0 : i32
    %dma_wait3A_782 = arith.constant 0 : i32
    %dma_wait3A_783 = arith.constant 0 : i32
    %dma_wait3A_784 = tpu.memref_slice %arg5[%dma_wait3A_769, %dma_wait3A_781, %dma_wait3A_782, %dma_wait3A_783] : memref<3x4x8x1024xf32, #tpu.memory_space<vmem>> -> memref<1x4x8x1024xf32, #tpu.memory_space<vmem>>
    %dma_wait3A_785 = tpu.memref_squeeze %dma_wait3A_784 : memref<1x4x8x1024xf32, #tpu.memory_space<vmem>> -> memref<4x8x1024xf32, #tpu.memory_space<vmem>>
    %dma_wait3A_786 = arith.constant 0 : i32
    %dma_wait3A_787 = arith.constant 0 : i32
    %dma_wait3A_788 = tpu.memref_slice %arg2[%dma_wait3A_786, %add3A_542, %dma_wait3A_787] : memref<4x2048x1024xf32, #tpu.memory_space<hbm>> -> memref<4x8x1024xf32, #tpu.memory_space<hbm>>
    tpu.wait_dma2 semaphore(%dma_wait3A_780 : memref<!tpu.dma_semaphore, #tpu.memory_space<semaphore_mem>>) src(%dma_wait3A_788 : memref<4x8x1024xf32, #tpu.memory_space<hbm>>) dst(%dma_wait3A_785 : memref<4x8x1024xf32, #tpu.memory_space<vmem>>)
    %add3A_789 = arith.constant 48 : i32
    %add3A_790 = arith.addi %mul3A_2, %add3A_789 : i32
    %dma_start3A_791 = arith.constant 0 : i32
    %dma_start3A_792 = arith.constant 0 : i32
    %dma_start3A_793 = arith.constant 0 : i32
    %dma_start3A_794 = arith.constant 0 : i32
    %dma_start3A_795 = arith.constant 0 : i32
    %dma_start3A_796 = tpu.memref_slice %arg5[%dma_start3A_791, %dma_start3A_793, %dma_start3A_794, %dma_start3A_795] : memref<3x4x8x1024xf32, #tpu.memory_space<vmem>> -> memref<1x4x8x1024xf32, #tpu.memory_space<vmem>>
    %dma_start3A_797 = tpu.memref_squeeze %dma_start3A_796 : memref<1x4x8x1024xf32, #tpu.memory_space<vmem>> -> memref<4x8x1024xf32, #tpu.memory_space<vmem>>
    %dma_start3A_798 = arith.constant 0 : i32
    %dma_start3A_799 = arith.constant 0 : i32
    %dma_start3A_800 = tpu.memref_slice %arg4[%dma_start3A_798, %add3A_790, %dma_start3A_799] : memref<4x2048x1024xf32, #tpu.memory_space<hbm>> -> memref<4x8x1024xf32, #tpu.memory_space<hbm>>
    %dma_start3A_801 = tpu.memref_slice %arg9[%dma_start3A_792] : memref<3x!tpu.dma_semaphore, #tpu.memory_space<semaphore_mem>> -> memref<1x!tpu.dma_semaphore, #tpu.memory_space<semaphore_mem>>
    %dma_start3A_802 = tpu.memref_squeeze %dma_start3A_801 : memref<1x!tpu.dma_semaphore, #tpu.memory_space<semaphore_mem>> -> memref<!tpu.dma_semaphore, #tpu.memory_space<semaphore_mem>>
    %dma_start3A_803 = arith.constant 0 : i32
    %dma_start3A_804 = arith.constant 0 : i32
    %dma_start3A_805 = tpu.memref_slice %arg4[%dma_start3A_803, %add3A_790, %dma_start3A_804] : memref<4x2048x1024xf32, #tpu.memory_space<hbm>> -> memref<4x8x1024xf32, #tpu.memory_space<hbm>>
    %dma_start3A_806 = arith.constant 0 : i32
    %dma_start3A_807 = arith.constant 0 : i32
    %dma_start3A_808 = arith.constant 0 : i32
    %dma_start3A_809 = tpu.memref_slice %arg5[%dma_start3A_791, %dma_start3A_806, %dma_start3A_807, %dma_start3A_808] : memref<3x4x8x1024xf32, #tpu.memory_space<vmem>> -> memref<1x4x8x1024xf32, #tpu.memory_space<vmem>>
    %dma_start3A_810 = tpu.memref_squeeze %dma_start3A_809 : memref<1x4x8x1024xf32, #tpu.memory_space<vmem>> -> memref<4x8x1024xf32, #tpu.memory_space<vmem>>
    tpu.enqueue_dma source(%dma_start3A_810 : memref<4x8x1024xf32, #tpu.memory_space<vmem>>) target(%dma_start3A_805 : memref<4x8x1024xf32, #tpu.memory_space<hbm>>) target_semaphore(%dma_start3A_802 : memref<!tpu.dma_semaphore, #tpu.memory_space<semaphore_mem>>)
    %dma_wait3A_811 = arith.constant 1 : i32
    %dma_wait3A_812 = arith.constant 1 : i32
    %dma_wait3A_813 = arith.constant 0 : i32
    %dma_wait3A_814 = arith.constant 0 : i32
    %dma_wait3A_815 = tpu.memref_slice %arg6[%dma_wait3A_811, %dma_wait3A_813, %dma_wait3A_814] : memref<3x8x1024xf32, #tpu.memory_space<vmem>> -> memref<1x8x1024xf32, #tpu.memory_space<vmem>>
    %dma_wait3A_816 = tpu.memref_squeeze %dma_wait3A_815 : memref<1x8x1024xf32, #tpu.memory_space<vmem>> -> memref<8x1024xf32, #tpu.memory_space<vmem>>
    %dma_wait3A_817 = arith.constant 0 : i32
    %dma_wait3A_818 = tpu.memref_slice %arg3[%add3A_658, %dma_wait3A_817] : memref<2048x1024xf32, #tpu.memory_space<hbm>> -> memref<8x1024xf32, #tpu.memory_space<hbm>>
    %dma_wait3A_819 = tpu.memref_slice %arg8[%dma_wait3A_812] : memref<3x!tpu.dma_semaphore, #tpu.memory_space<semaphore_mem>> -> memref<1x!tpu.dma_semaphore, #tpu.memory_space<semaphore_mem>>
    %dma_wait3A_820 = tpu.memref_squeeze %dma_wait3A_819 : memref<1x!tpu.dma_semaphore, #tpu.memory_space<semaphore_mem>> -> memref<!tpu.dma_semaphore, #tpu.memory_space<semaphore_mem>>
    %dma_wait3A_821 = arith.constant 0 : i32
    %dma_wait3A_822 = arith.constant 0 : i32
    %dma_wait3A_823 = tpu.memref_slice %arg6[%dma_wait3A_811, %dma_wait3A_821, %dma_wait3A_822] : memref<3x8x1024xf32, #tpu.memory_space<vmem>> -> memref<1x8x1024xf32, #tpu.memory_space<vmem>>
    %dma_wait3A_824 = tpu.memref_squeeze %dma_wait3A_823 : memref<1x8x1024xf32, #tpu.memory_space<vmem>> -> memref<8x1024xf32, #tpu.memory_space<vmem>>
    %dma_wait3A_825 = arith.constant 0 : i32
    %dma_wait3A_826 = tpu.memref_slice %arg3[%add3A_658, %dma_wait3A_825] : memref<2048x1024xf32, #tpu.memory_space<hbm>> -> memref<8x1024xf32, #tpu.memory_space<hbm>>
    tpu.wait_dma2 semaphore(%dma_wait3A_820 : memref<!tpu.dma_semaphore, #tpu.memory_space<semaphore_mem>>) src(%dma_wait3A_826 : memref<8x1024xf32, #tpu.memory_space<hbm>>) dst(%dma_wait3A_824 : memref<8x1024xf32, #tpu.memory_space<vmem>>)
    %dma_wait3A_827 = arith.constant 1 : i32
    %dma_wait3A_828 = arith.constant 1 : i32
    %dma_wait3A_829 = arith.constant 0 : i32
    %dma_wait3A_830 = arith.constant 0 : i32
    %dma_wait3A_831 = arith.constant 0 : i32
    %dma_wait3A_832 = tpu.memref_slice %arg5[%dma_wait3A_827, %dma_wait3A_829, %dma_wait3A_830, %dma_wait3A_831] : memref<3x4x8x1024xf32, #tpu.memory_space<vmem>> -> memref<1x4x8x1024xf32, #tpu.memory_space<vmem>>
    %dma_wait3A_833 = tpu.memref_squeeze %dma_wait3A_832 : memref<1x4x8x1024xf32, #tpu.memory_space<vmem>> -> memref<4x8x1024xf32, #tpu.memory_space<vmem>>
    %dma_wait3A_834 = arith.constant 0 : i32
    %dma_wait3A_835 = arith.constant 0 : i32
    %dma_wait3A_836 = tpu.memref_slice %arg2[%dma_wait3A_834, %add3A_658, %dma_wait3A_835] : memref<4x2048x1024xf32, #tpu.memory_space<hbm>> -> memref<4x8x1024xf32, #tpu.memory_space<hbm>>
    %dma_wait3A_837 = tpu.memref_slice %arg7[%dma_wait3A_828] : memref<3x!tpu.dma_semaphore, #tpu.memory_space<semaphore_mem>> -> memref<1x!tpu.dma_semaphore, #tpu.memory_space<semaphore_mem>>
    %dma_wait3A_838 = tpu.memref_squeeze %dma_wait3A_837 : memref<1x!tpu.dma_semaphore, #tpu.memory_space<semaphore_mem>> -> memref<!tpu.dma_semaphore, #tpu.memory_space<semaphore_mem>>
    %dma_wait3A_839 = arith.constant 0 : i32
    %dma_wait3A_840 = arith.constant 0 : i32
    %dma_wait3A_841 = arith.constant 0 : i32
    %dma_wait3A_842 = tpu.memref_slice %arg5[%dma_wait3A_827, %dma_wait3A_839, %dma_wait3A_840, %dma_wait3A_841] : memref<3x4x8x1024xf32, #tpu.memory_space<vmem>> -> memref<1x4x8x1024xf32, #tpu.memory_space<vmem>>
    %dma_wait3A_843 = tpu.memref_squeeze %dma_wait3A_842 : memref<1x4x8x1024xf32, #tpu.memory_space<vmem>> -> memref<4x8x1024xf32, #tpu.memory_space<vmem>>
    %dma_wait3A_844 = arith.constant 0 : i32
    %dma_wait3A_845 = arith.constant 0 : i32
    %dma_wait3A_846 = tpu.memref_slice %arg2[%dma_wait3A_844, %add3A_658, %dma_wait3A_845] : memref<4x2048x1024xf32, #tpu.memory_space<hbm>> -> memref<4x8x1024xf32, #tpu.memory_space<hbm>>
    tpu.wait_dma2 semaphore(%dma_wait3A_838 : memref<!tpu.dma_semaphore, #tpu.memory_space<semaphore_mem>>) src(%dma_wait3A_846 : memref<4x8x1024xf32, #tpu.memory_space<hbm>>) dst(%dma_wait3A_843 : memref<4x8x1024xf32, #tpu.memory_space<vmem>>)
    %add3A_847 = arith.constant 56 : i32
    %add3A_848 = arith.addi %mul3A_2, %add3A_847 : i32
    %dma_start3A_849 = arith.constant 1 : i32
    %dma_start3A_850 = arith.constant 1 : i32
    %dma_start3A_851 = arith.constant 0 : i32
    %dma_start3A_852 = arith.constant 0 : i32
    %dma_start3A_853 = arith.constant 0 : i32
    %dma_start3A_854 = tpu.memref_slice %arg5[%dma_start3A_849, %dma_start3A_851, %dma_start3A_852, %dma_start3A_853] : memref<3x4x8x1024xf32, #tpu.memory_space<vmem>> -> memref<1x4x8x1024xf32, #tpu.memory_space<vmem>>
    %dma_start3A_855 = tpu.memref_squeeze %dma_start3A_854 : memref<1x4x8x1024xf32, #tpu.memory_space<vmem>> -> memref<4x8x1024xf32, #tpu.memory_space<vmem>>
    %dma_start3A_856 = arith.constant 0 : i32
    %dma_start3A_857 = arith.constant 0 : i32
    %dma_start3A_858 = tpu.memref_slice %arg4[%dma_start3A_856, %add3A_848, %dma_start3A_857] : memref<4x2048x1024xf32, #tpu.memory_space<hbm>> -> memref<4x8x1024xf32, #tpu.memory_space<hbm>>
    %dma_start3A_859 = tpu.memref_slice %arg9[%dma_start3A_850] : memref<3x!tpu.dma_semaphore, #tpu.memory_space<semaphore_mem>> -> memref<1x!tpu.dma_semaphore, #tpu.memory_space<semaphore_mem>>
    %dma_start3A_860 = tpu.memref_squeeze %dma_start3A_859 : memref<1x!tpu.dma_semaphore, #tpu.memory_space<semaphore_mem>> -> memref<!tpu.dma_semaphore, #tpu.memory_space<semaphore_mem>>
    %dma_start3A_861 = arith.constant 0 : i32
    %dma_start3A_862 = arith.constant 0 : i32
    %dma_start3A_863 = tpu.memref_slice %arg4[%dma_start3A_861, %add3A_848, %dma_start3A_862] : memref<4x2048x1024xf32, #tpu.memory_space<hbm>> -> memref<4x8x1024xf32, #tpu.memory_space<hbm>>
    %dma_start3A_864 = arith.constant 0 : i32
    %dma_start3A_865 = arith.constant 0 : i32
    %dma_start3A_866 = arith.constant 0 : i32
    %dma_start3A_867 = tpu.memref_slice %arg5[%dma_start3A_849, %dma_start3A_864, %dma_start3A_865, %dma_start3A_866] : memref<3x4x8x1024xf32, #tpu.memory_space<vmem>> -> memref<1x4x8x1024xf32, #tpu.memory_space<vmem>>
    %dma_start3A_868 = tpu.memref_squeeze %dma_start3A_867 : memref<1x4x8x1024xf32, #tpu.memory_space<vmem>> -> memref<4x8x1024xf32, #tpu.memory_space<vmem>>
    tpu.enqueue_dma source(%dma_start3A_868 : memref<4x8x1024xf32, #tpu.memory_space<vmem>>) target(%dma_start3A_863 : memref<4x8x1024xf32, #tpu.memory_space<hbm>>) target_semaphore(%dma_start3A_860 : memref<!tpu.dma_semaphore, #tpu.memory_space<semaphore_mem>>)
    %dma_wait3A_869 = arith.constant 2 : i32
    %dma_wait3A_870 = arith.constant 2 : i32
    %dma_wait3A_871 = arith.constant 0 : i32
    %dma_wait3A_872 = arith.constant 0 : i32
    %dma_wait3A_873 = arith.constant 0 : i32
    %dma_wait3A_874 = tpu.memref_slice %arg5[%dma_wait3A_869, %dma_wait3A_871, %dma_wait3A_872, %dma_wait3A_873] : memref<3x4x8x1024xf32, #tpu.memory_space<vmem>> -> memref<1x4x8x1024xf32, #tpu.memory_space<vmem>>
    %dma_wait3A_875 = tpu.memref_squeeze %dma_wait3A_874 : memref<1x4x8x1024xf32, #tpu.memory_space<vmem>> -> memref<4x8x1024xf32, #tpu.memory_space<vmem>>
    %dma_wait3A_876 = arith.constant 0 : i32
    %dma_wait3A_877 = arith.constant 0 : i32
    %dma_wait3A_878 = tpu.memref_slice %arg4[%dma_wait3A_876, %add3A_732, %dma_wait3A_877] : memref<4x2048x1024xf32, #tpu.memory_space<hbm>> -> memref<4x8x1024xf32, #tpu.memory_space<hbm>>
    %dma_wait3A_879 = tpu.memref_slice %arg9[%dma_wait3A_870] : memref<3x!tpu.dma_semaphore, #tpu.memory_space<semaphore_mem>> -> memref<1x!tpu.dma_semaphore, #tpu.memory_space<semaphore_mem>>
    %dma_wait3A_880 = tpu.memref_squeeze %dma_wait3A_879 : memref<1x!tpu.dma_semaphore, #tpu.memory_space<semaphore_mem>> -> memref<!tpu.dma_semaphore, #tpu.memory_space<semaphore_mem>>
    %dma_wait3A_881 = arith.constant 0 : i32
    %dma_wait3A_882 = arith.constant 0 : i32
    %dma_wait3A_883 = tpu.memref_slice %arg4[%dma_wait3A_881, %add3A_732, %dma_wait3A_882] : memref<4x2048x1024xf32, #tpu.memory_space<hbm>> -> memref<4x8x1024xf32, #tpu.memory_space<hbm>>
    %dma_wait3A_884 = arith.constant 0 : i32
    %dma_wait3A_885 = arith.constant 0 : i32
    %dma_wait3A_886 = arith.constant 0 : i32
    %dma_wait3A_887 = tpu.memref_slice %arg5[%dma_wait3A_869, %dma_wait3A_884, %dma_wait3A_885, %dma_wait3A_886] : memref<3x4x8x1024xf32, #tpu.memory_space<vmem>> -> memref<1x4x8x1024xf32, #tpu.memory_space<vmem>>
    %dma_wait3A_888 = tpu.memref_squeeze %dma_wait3A_887 : memref<1x4x8x1024xf32, #tpu.memory_space<vmem>> -> memref<4x8x1024xf32, #tpu.memory_space<vmem>>
    tpu.wait_dma2 semaphore(%dma_wait3A_880 : memref<!tpu.dma_semaphore, #tpu.memory_space<semaphore_mem>>) src(%dma_wait3A_888 : memref<4x8x1024xf32, #tpu.memory_space<vmem>>) dst(%dma_wait3A_883 : memref<4x8x1024xf32, #tpu.memory_space<hbm>>)
    %dma_wait3A_889 = arith.constant 0 : i32
    %dma_wait3A_890 = arith.constant 0 : i32
    %dma_wait3A_891 = arith.constant 0 : i32
    %dma_wait3A_892 = arith.constant 0 : i32
    %dma_wait3A_893 = arith.constant 0 : i32
    %dma_wait3A_894 = tpu.memref_slice %arg5[%dma_wait3A_889, %dma_wait3A_891, %dma_wait3A_892, %dma_wait3A_893] : memref<3x4x8x1024xf32, #tpu.memory_space<vmem>> -> memref<1x4x8x1024xf32, #tpu.memory_space<vmem>>
    %dma_wait3A_895 = tpu.memref_squeeze %dma_wait3A_894 : memref<1x4x8x1024xf32, #tpu.memory_space<vmem>> -> memref<4x8x1024xf32, #tpu.memory_space<vmem>>
    %dma_wait3A_896 = arith.constant 0 : i32
    %dma_wait3A_897 = arith.constant 0 : i32
    %dma_wait3A_898 = tpu.memref_slice %arg4[%dma_wait3A_896, %add3A_790, %dma_wait3A_897] : memref<4x2048x1024xf32, #tpu.memory_space<hbm>> -> memref<4x8x1024xf32, #tpu.memory_space<hbm>>
    %dma_wait3A_899 = tpu.memref_slice %arg9[%dma_wait3A_890] : memref<3x!tpu.dma_semaphore, #tpu.memory_space<semaphore_mem>> -> memref<1x!tpu.dma_semaphore, #tpu.memory_space<semaphore_mem>>
    %dma_wait3A_900 = tpu.memref_squeeze %dma_wait3A_899 : memref<1x!tpu.dma_semaphore, #tpu.memory_space<semaphore_mem>> -> memref<!tpu.dma_semaphore, #tpu.memory_space<semaphore_mem>>
    %dma_wait3A_901 = arith.constant 0 : i32
    %dma_wait3A_902 = arith.constant 0 : i32
    %dma_wait3A_903 = tpu.memref_slice %arg4[%dma_wait3A_901, %add3A_790, %dma_wait3A_902] : memref<4x2048x1024xf32, #tpu.memory_space<hbm>> -> memref<4x8x1024xf32, #tpu.memory_space<hbm>>
    %dma_wait3A_904 = arith.constant 0 : i32
    %dma_wait3A_905 = arith.constant 0 : i32
    %dma_wait3A_906 = arith.constant 0 : i32
    %dma_wait3A_907 = tpu.memref_slice %arg5[%dma_wait3A_889, %dma_wait3A_904, %dma_wait3A_905, %dma_wait3A_906] : memref<3x4x8x1024xf32, #tpu.memory_space<vmem>> -> memref<1x4x8x1024xf32, #tpu.memory_space<vmem>>
    %dma_wait3A_908 = tpu.memref_squeeze %dma_wait3A_907 : memref<1x4x8x1024xf32, #tpu.memory_space<vmem>> -> memref<4x8x1024xf32, #tpu.memory_space<vmem>>
    tpu.wait_dma2 semaphore(%dma_wait3A_900 : memref<!tpu.dma_semaphore, #tpu.memory_space<semaphore_mem>>) src(%dma_wait3A_908 : memref<4x8x1024xf32, #tpu.memory_space<vmem>>) dst(%dma_wait3A_903 : memref<4x8x1024xf32, #tpu.memory_space<hbm>>)
    %dma_wait3A_909 = arith.constant 1 : i32
    %dma_wait3A_910 = arith.constant 1 : i32
    %dma_wait3A_911 = arith.constant 0 : i32
    %dma_wait3A_912 = arith.constant 0 : i32
    %dma_wait3A_913 = arith.constant 0 : i32
    %dma_wait3A_914 = tpu.memref_slice %arg5[%dma_wait3A_909, %dma_wait3A_911, %dma_wait3A_912, %dma_wait3A_913] : memref<3x4x8x1024xf32, #tpu.memory_space<vmem>> -> memref<1x4x8x1024xf32, #tpu.memory_space<vmem>>
    %dma_wait3A_915 = tpu.memref_squeeze %dma_wait3A_914 : memref<1x4x8x1024xf32, #tpu.memory_space<vmem>> -> memref<4x8x1024xf32, #tpu.memory_space<vmem>>
    %dma_wait3A_916 = arith.constant 0 : i32
    %dma_wait3A_917 = arith.constant 0 : i32
    %dma_wait3A_918 = tpu.memref_slice %arg4[%dma_wait3A_916, %add3A_848, %dma_wait3A_917] : memref<4x2048x1024xf32, #tpu.memory_space<hbm>> -> memref<4x8x1024xf32, #tpu.memory_space<hbm>>
    %dma_wait3A_919 = tpu.memref_slice %arg9[%dma_wait3A_910] : memref<3x!tpu.dma_semaphore, #tpu.memory_space<semaphore_mem>> -> memref<1x!tpu.dma_semaphore, #tpu.memory_space<semaphore_mem>>
    %dma_wait3A_920 = tpu.memref_squeeze %dma_wait3A_919 : memref<1x!tpu.dma_semaphore, #tpu.memory_space<semaphore_mem>> -> memref<!tpu.dma_semaphore, #tpu.memory_space<semaphore_mem>>
    %dma_wait3A_921 = arith.constant 0 : i32
    %dma_wait3A_922 = arith.constant 0 : i32
    %dma_wait3A_923 = tpu.memref_slice %arg4[%dma_wait3A_921, %add3A_848, %dma_wait3A_922] : memref<4x2048x1024xf32, #tpu.memory_space<hbm>> -> memref<4x8x1024xf32, #tpu.memory_space<hbm>>
    %dma_wait3A_924 = arith.constant 0 : i32
    %dma_wait3A_925 = arith.constant 0 : i32
    %dma_wait3A_926 = arith.constant 0 : i32
    %dma_wait3A_927 = tpu.memref_slice %arg5[%dma_wait3A_909, %dma_wait3A_924, %dma_wait3A_925, %dma_wait3A_926] : memref<3x4x8x1024xf32, #tpu.memory_space<vmem>> -> memref<1x4x8x1024xf32, #tpu.memory_space<vmem>>
    %dma_wait3A_928 = tpu.memref_squeeze %dma_wait3A_927 : memref<1x4x8x1024xf32, #tpu.memory_space<vmem>> -> memref<4x8x1024xf32, #tpu.memory_space<vmem>>
    tpu.wait_dma2 semaphore(%dma_wait3A_920 : memref<!tpu.dma_semaphore, #tpu.memory_space<semaphore_mem>>) src(%dma_wait3A_928 : memref<4x8x1024xf32, #tpu.memory_space<vmem>>) dst(%dma_wait3A_923 : memref<4x8x1024xf32, #tpu.memory_space<hbm>>)
    return
  }
}

</mosaic_0001>

<sc_bundles>
// kernel: kernel.3.cloned.1.call-start
scs
__scs_entry_jumppad:
0x0: {  	(pc) =	sbr.rel $0x88, $3  }
0x1: {  	(tag) =	ssettag $0x0;
	lr =	simm.s32 $0x1  }
0x2: {  	[smem:$0x3F9F] =	sst lr;
	_ =	strace $0xD0000000  }
0x3: {  	_ = 	snop  }
0x4: {  	_ = 	snop  }
0x5: {  	_ = 	snop  }
0x6: {  	_ = 	snop  }
0x7: {  	_ = 	snop  }
__scs_overlays_trampoline_lowered:
0x8: {  	[smem:$0x3FAE] =	sst s0  }
0x9: {  	[smem:$0x3FAF] =	sst s1  }
0xa: {  	[smem:$0x3FB0] =	sst s2  }
0xb: {  	[smem:$0x3FB1] =	sst s3  }
0xc: {  	[smem:$0x3FB2] =	sst s4  }
0xd: {  	[smem:$0x3FB3] =	sst s5  }
0xe: {  	[smem:$0x3FB4] =	sst s6  }
0xf: {  	[smem:$0x3FB5] =	sst s7  }
0x10: {  	[smem:$0x3FB6] =	sst s8  }
0x11: {  	[smem:$0x3FB7] =	sst s9;
	s0 =	simm.s32 @!p0 $0x0  }
0x12: {  	s1 =	sld [smem:$0x3F9D];
	s0 =	simm.s32 @p0 $0x1  }
0x13: {  	[smem:$0x3FB8] =	sst s0;
	s0 =	simm.s32 @!p1 $0x0  }
0x14: {  	s2 =	sld [smem:$0x3F9C];
	s0 =	simm.s32 @p1 $0x1  }
0x15: {  	[smem:$0x3FB9] =	sst s0;
	s0 =	simm.s32 @!p2 $0x0  }
0x16: {  	s3 =	sld [smem:$0x3FDB];
	s0 =	simm.s32 @p2 $0x1  }
0x17: {  	s4 =	simm.s32 $0x1BF5;
	[smem:$0x3FBB] =	sst s0  }
0x18: {  	s0 =	sld [smem:$0x3F9E];
	_ =	swait.ge [sflag:s4], $0x0  }
0x19: {  	s7 =	sld [smem:$0x3F9F]  }
0x1a: {  	s8 =	sadd.s32 $0xFFFFE003, lr  }
0x1b: {  	s9 =	sadd.s32 $0xFFFFFEF7, lr;
	s5 =	simm.s32 $0xFFFFFFFF;
	p2 =	slt.u32 s8, $0xFFFFF086  }
0x1c: {  	p1 =	slt.u32 s9, $0xF7A;
	s5 =	simm.s32 @!p2 $0x0  }
0x1d: {  	s5 =	simm.s32 @p1 $0x1;
	p0 =	seq.s32 s7, s2  }
0x1e: {  	s7 =	smul.u32 @!p0 $0xF7A, s2;
	p2 =	seq.s32 @!p0 s5, $0x0  }
0x1f: {  	s9 =	smul.u32 $0xF7A, s1;
	s8 =	simm.s32 @!p0 $0x1BF5;
	p2 =	por !p2, p0  }
0x20: {  	[sflag:s8] =	ssyncset.s32 @!p0 $0xFFFFF086;
	s6 =	sadd.s32 @!p0 s3, s7;
	s7 =	simm.s32 @!p0 $0x108  }
0x21: {  	s3 =	sadd.s32 s3, s9;
	s6 =	sadd.s32 @!p0 $0x88, s6;
	s7 =	simm.s32 @p2 $0x1082  }
0x22: {  	[simem:s7], [sflag:s8] =	dma.local @!p0 [hbm:s6], $0xF7A  }
0x23: {  	s9 =	sor.u32 $0xD0000000, s2;
	s6 =	simm.s32 $0x108;
	_ =	swait.ge @!p0 [sflag:s8], $0x0  }
0x24: {  	s3 =	sadd.s32 $0x88, s3;
	s6 =	simm.s32 @!p1 $0x1082;
	[sflag:s4] =	ssyncset.s32 $0xFFFFF086  }
0x25: {  	[simem:s6], [sflag:s4] =	dma.local [hbm:s3], $0xF7A  }
0x26: {  	[smem:$0x3F9F] =	sst s1;
	(tag) =	ssettag s2;
	_ =	strace s9  }
0x27: {  	s1 =	sld [smem:$0x3FAF]  }
0x28: {  	s2 =	sld [smem:$0x3FB0]  }
0x29: {  	s4 =	sld [smem:$0x3FB2]  }
0x2a: {  	p0 =	seq.s32 s5, $0x0;
	s5 =	sld [smem:$0x3FB3]  }
0x2b: {  	s6 =	sld [smem:$0x3FB4]  }
0x2c: {  	s7 =	sld [smem:$0x3FB5]  }
0x2d: {  	s3 =	simm.s32 $0x108;
	s8 =	sld [smem:$0x3FB6]  }
0x2e: {  	s3 =	simm.s32 @!p0 $0x1082;
	s9 =	sld [smem:$0x3FB7]  }
0x2f: {  	lr =	sadd.s32 s0, s3;
	s0 =	sld [smem:$0x3FAE]  }
0x30: {  	s3 =	sld [smem:$0x3FB1]  }
0x31: {  	[smem:$0x3FBA] =	sst s10  }
0x32: {  	s10 =	sld [smem:$0x3FB8];
	_ =	sdelay $0x3  }
0x33: {  	p0 =	seq.s32 s10, $0x1;
	s10 =	sld [smem:$0x3FBA];
	_ =	sdelay $0x3  }
0x34: {  	[smem:$0x3FBA] =	sst s10  }
0x35: {  	s10 =	sld [smem:$0x3FB9];
	_ =	sdelay $0x3  }
0x36: {  	p1 =	seq.s32 s10, $0x1;
	s10 =	sld [smem:$0x3FBA];
	_ =	sdelay $0x3  }
0x37: {  	[smem:$0x3FBA] =	sst s10  }
0x38: {  	s10 =	sld [smem:$0x3FBB]  }
0x39: {  	_ = 	snop;
	(pc) =	sbr.ind lr, $3  }
0x3a: {  	_ = 	snop  }
0x3b: {  	_ = 	snop  }
0x3c: {  	p2 =	seq.s32 s10, $0x1;
	s10 =	sld [smem:$0x3FBA]  }
0x3d: {  	_ =	shalt  }
0x3e: {  	_ =	shalt  }
0x3f: {  	_ =	shalt  }
0x40: {  	_ =	shalt  }
0x41: {  	_ =	shalt  }
0x42: {  	_ =	shalt  }
0x43: {  	_ =	shalt  }
0x44: {  	_ =	shalt  }
0x45: {  	_ =	shalt  }
0x46: {  	_ =	shalt  }
0x47: {  	_ =	shalt  }
0x48: {  	_ =	shalt  }
0x49: {  	_ =	shalt  }
0x4a: {  	_ =	shalt  }
0x4b: {  	_ =	shalt  }
0x4c: {  	_ =	shalt  }
0x4d: {  	_ =	shalt  }
0x4e: {  	_ =	shalt  }
0x4f: {  	_ =	shalt  }
0x50: {  	_ =	shalt  }
0x51: {  	_ =	shalt  }
0x52: {  	_ =	shalt  }
0x53: {  	_ =	shalt  }
0x54: {  	_ =	shalt  }
0x55: {  	_ =	shalt  }
0x56: {  	_ =	shalt  }
0x57: {  	_ =	shalt  }
0x58: {  	_ =	shalt  }
0x59: {  	_ =	shalt  }
0x5a: {  	_ =	shalt  }
0x5b: {  	_ =	shalt  }
0x5c: {  	_ =	shalt  }
0x5d: {  	_ =	shalt  }
0x5e: {  	_ =	shalt  }
0x5f: {  	_ =	shalt  }
0x60: {  	_ =	shalt  }
0x61: {  	_ =	shalt  }
0x62: {  	_ =	shalt  }
0x63: {  	_ =	shalt  }
0x64: {  	_ =	shalt  }
0x65: {  	_ =	shalt  }
0x66: {  	_ =	shalt  }
0x67: {  	_ =	shalt  }
0x68: {  	_ =	shalt  }
0x69: {  	_ =	shalt  }
0x6a: {  	_ =	shalt  }
0x6b: {  	_ =	shalt  }
0x6c: {  	_ =	shalt  }
0x6d: {  	_ =	shalt  }
0x6e: {  	_ =	shalt  }
0x6f: {  	_ =	shalt  }
0x70: {  	_ =	shalt  }
0x71: {  	_ =	shalt  }
0x72: {  	_ =	shalt  }
0x73: {  	_ =	shalt  }
0x74: {  	_ =	shalt  }
0x75: {  	_ =	shalt  }
0x76: {  	_ =	shalt  }
0x77: {  	_ =	shalt  }
0x78: {  	_ =	shalt  }
0x79: {  	_ =	shalt  }
0x7a: {  	_ =	shalt  }
0x7b: {  	_ =	shalt  }
0x7c: {  	_ =	shalt  }
0x7d: {  	_ =	shalt  }
0x7e: {  	_ =	shalt  }
0x7f: {  	_ =	shalt  }
0x80: {  	_ =	shalt  }
0x81: {  	_ =	shalt  }
0x82: {  	_ =	shalt  }
0x83: {  	_ =	shalt  }
0x84: {  	_ =	shalt  }
0x85: {  	_ =	shalt  }
0x86: {  	_ =	shalt  }
0x87: {  	_ =	shalt  }
.Lfunc_end0:
.L_simem_size_0:
called_computation_lowered:
.L_overlay_start_0:
0x88: {  	s2 =	sld [smem:$0x3FD9]  }
0x89: {  	s3 =	sld [smem:$0x3FFE];
	_ =	sdelay $0x1  }
0x8a: {  	s1 =	srdreg.scid  }
0x8b: {  	s0 =	sand.u32 $0x1, s1  }
0x8c: {  	s18 =	sshll.u32 s0, $0xA;
	s2 =	sadd.s32 s3, s2  }
0x8d: {  	s2 =	sadd.s32 s2, s18  }
0x8e: {  	[smem:$0x3FC6] =	sst s2  }
0x8f: {  	_ = 	snop  }
0x90: {  	s2 =	sld [smem:$0x3FC9]  }
0x91: {  	s19 =	sld [smem:$0x3FC8]  }
0x92: {  	s4 =	sld [smem:$0x3FD0];
	(tm) =	ssettm $0x1  }
0x93: {  	s5 =	sld [smem:$0x3FFB];
	_ =	sdelay $0x3  }
0x94: {  	_ =	strace s5  }
0x95: {  	s5 =	sld [smem:$0x3FFC];
	_ =	sdelay $0x3  }
0x96: {  	_ =	strace s5  }
0x97: {  	s5 =	sld [smem:$0x3FFD];
	_ =	sdelay $0x3  }
0x98: {  	_ =	strace s5  }
0x99: {  	_ =	strace $0x8FFFFFFF  }
0x9a: {  	s20 =	sld [smem:$0x3FDB];
	_ =	sdelay $0x1  }
0x9b: {  	s6 =	simm.s32 $_scs_section_size  }
0x9c: {  	s7 =	simm.s32 $_size__tile_overlayer_lowered;
	s8 =	simm.s32 $_tile_overlayer_lowered  }
0x9d: {  	s23 =	simm.s32 $0x1BFF;
	s22 =	sshll.u32 s8, $0x1;
	s5 =	sadd.s32 s6, s20  }
0x9e: {  	s9 =	simm.s32 $0x0;
	s21 =	sshll.u32 s7, $0x1;
	s7 =	sadd.s32 s22, s5  }
0x9f: {  	[timem:s9], [sflag:s23] =	dma.local [hbm:s7], s21  }
0xa0: {  	_ =	swait.ge [sflag:s23], s21  }
0xa1: {  	s6 =	ssub.s32 $0x0, s21;
	[sflag:s23] =	ssyncset.done $0x0  }
0xa2: {  	[sflag:s23] =	ssyncadd.s32 s6;
	_ =	sdelay $0x1  }
0xa3: {  	s24 =	simm.s32 $0x1B8B  }
0xa4: {  	_ =	swait.ge [sflag:s24], $0x1  }
0xa5: {  	[sflag:s24] =	ssyncset.done $0x0  }
0xa6: {  	s25 =	simm.s32 $0x1B8E;
	[sflag:s24] =	ssyncadd.s32 $0xFFFFFFFF  }
0xa7: {  	s26 =	simm.s32 $execute0_lowered;
	[smem:$0x3FD2] =	sst s25  }
0xa8: {  	s6 =	sshll.u32 s26, $0x1;
	_ =	strace $0x80000046;
	[dreg:$0x1] =	wrdreg $0xFFFFFFFF  }
0xa9: {  	s28 =	simm.s32 $_size_execute0_lowered;
	s5 =	sadd.s32 s5, s6;
	[dreg:$0x0] =	wrdreg $0x0  }
0xaa: {  	s6 =	sshll.u32 s28, $0x1;
	[dreg:$0x2] =	wrdreg s5  }
0xab: {  	[dreg:$0x3] =	wrdreg s6  }
0xac: {  	[dreg:$0x4] =	wrdreg $0xC0  }
0xad: {  	_ =	task [dreg:s9], $0x5FFFF  }
0xae: {  	[dreg:$0x1] =	wrdreg $0xFFFFFFFF  }
0xaf: {  	[dreg:$0x0] =	wrdreg $0x60  }
0xb0: {  	[dreg:$0x2] =	wrdreg s2  }
0xb1: {  	[dreg:$0x3] =	wrdreg s19  }
0xb2: {  	[dreg:$0x4] =	wrdreg s4  }
0xb3: {  	[dreg:$0x5] =	wrdreg $0x9  }
0xb4: {  	_ =	task.clear_ibuf [dreg:s9], $0x6FFFF;
	_ =	strace $0x90000046  }
0xb5: {  	s29 =	simm.s32 $0x9;
	_ =	strace $0x80000048  }
0xb6: {  	_ =	swait.ge [sflag:s29], $0x1  }
0xb7: {  	[sflag:s29] =	ssyncadd.s32 $0xFFFFFFFF  }
0xb8: {  	_ =	strace $0x90000048  }
0xb9: {  	_ =	sfence  }
0xba: {  	s30 =	sld [smem:$0x0];
	_ =	sdelay $0x2  }
0xbb: {  	s31 =	sshll.u32 s1, $0xD;
	s1 =	sshrl.u32 s1, $0x2  }
0xbc: {  	s3 =	sand.u32 $0x4000, s31;
	s1 =	sadd.s32 s1, s30  }
0xbd: {  	s0 =	sor.u32 s3, s0;
	s1 =	sshll.u32 s1, $0x11  }
0xbe: {  	s0 =	sor.u32 s1, s0  }
0xbf: {  	s0 =	sadd.s32 $0x8F2B, s0  }
0xc0: {  	[sflag:s0] =	ssyncadd.remote.s32 $0x1  }
0xc1: {  	_ =	sfence.sel $0xFFFF  }
0xc2: {  	[dreg:$0x0] =	wrdreg $0xFFFFFFFF;
	(pc) =	sbr.abs _section_cstart, $3  }
0xc3: {  	[dreg:$0x1] =	wrdreg $0xFFFFFFFF  }
0xc4: {  	_ =	task.clear_ibuf [dreg:s9], $0x2FFFF;
	_ =	strace $0x9FFFFFFF  }
0xc5: {  	(tm) =	ssettm $0x7FFFFFFF  }
tec
execute0_lowered:
.L_overlay_start_1:
0x0: {  	(tag) =	ssettag $0x1  }
0x1: {  	s0 =	rddreg [dreg:$0x0]  }
0x2: {  	s1 =	rddreg [dreg:$0x1]  }
0x3: {  	s3 =	rddreg [dreg:$0x2]  }
0x4: {  	s2 =	srdreg.scid;
	s5 =	stileid.u32  }
0x5: {  	s28 =	simm.s32 $0x18000;
	s31 =	simm.s32 $0x1C000;
	p0 =	por $0x0, $0x0  }
0x6: {  	s29 =	simm.s32 $0x6;
	s4 =	sand.u32 $0x1, s2;
	s2 =	simm.s32 $0x0  }
0x7: {  	s5 =	sshll.u32 s5, $0xE;
	s6 =	sshll.u32 s4, $0xD;
	[smem:$0x7FF] =	sst s2  }
0x8: {  	s4 =	ssub.s32 $0x2, s4;
	s5 =	sor.u32 s6, s5;
	_ =	strace $0x80000047  }
0x9: {  	s6 =	sadd.s32 s1, s5;
	s26 =	sadd.s32 s0, s5;
	s7 =	sor.u32 $0x400, s5  }
0xa: {  	s12 =	sadd.s32 s3, s5;
	s16 =	sor.u32 $0x1000, s5;
	[dreg:$0x4] =	wrdreg s6  }
0xb: {  	s19 =	sor.u32 $0x1400, s5;
	s22 =	sor.u32 $0x1800, s5;
	[dreg:$0x5] =	wrdreg s26  }
0xc: {  	s8 =	sadd.s32 s1, s7;
	s9 =	sadd.s32 s0, s7;
	[dreg:$0xa] =	wrdreg s12  }
0xd: {  	s15 =	sadd.s32 s3, s7;
	s17 =	sadd.s32 s1, s16;
	s18 =	sadd.s32 s0, s16  }
0xe: {  	s24 =	sadd.s32 s1, s19;
	s25 =	sadd.s32 s0, s19;
	[dreg:$0x6] =	wrdreg s8  }
0xf: {  	s20 =	sadd.s32 s1, s22;
	s21 =	sadd.s32 s0, s22;
	[dreg:$0x7] =	wrdreg s9  }
0x10: {  	s7 =	sadd.s32 s3, s22;
	s22 =	simm.s32 $0x1A000;
	[dreg:$0xd] =	wrdreg s15  }
0x11: {  	s6 =	simm.s32 $0x7;
	s12 =	simm.s32 $0x9;
	[dreg:$0xe] =	wrdreg s17  }
0x12: {  	s8 =	sor.u32 $0x800, s5;
	s9 =	sor.u32 $0xC00, s5;
	[dreg:$0xf] =	wrdreg s18  }
0x13: {  	s5 =	sor.u32 $0x1C00, s5;
	s18 =	sadd.s32 s3, s16;
	s17 =	simm.s32 $0x4  }
0x14: {  	s15 =	simm.s32 $0x1;
	s16 =	simm.s32 $0x5;
	s10 =	sadd.s32 s1, s8  }
0x15: {  	s11 =	sadd.s32 s0, s8;
	[dreg:$0x8] =	wrdreg s10;
	s10 =	sshrl.u32 s4, $0x1  }
0x16: {  	s13 =	sadd.s32 s1, s9;
	s14 =	sadd.s32 s0, s9;
	s4 =	ssub.s32 s4, s10  }
0x17: {  	s30 =	sadd.s32 s3, s8;
	s23 =	sadd.s32 s3, s9;
	s26 =	smax.u32 s4, $0x1  }
0x18: {  	s8 =	simm.s32 $0x8000;
	[dreg:$0x9] =	wrdreg s11;
	p1 =	sne.s32 s26, $0x1  }
.Ltmp0:
0x19: {  	s9 =	simm.s32 $0x8;
	[dreg:$0xb] =	wrdreg s13;
	(pc) =	sbr.rel @!p1 .LBB2_3-.Ltmp0, $4  }
0x1a: {  	[dreg:$0xc] =	wrdreg s14;
	s13 =	sadd.s32 s1, s5;
	s14 =	sadd.s32 s0, s5  }
0x1b: {  	s11 =	simm.s32 $0x2;
	s1 =	rddreg [dreg:$0x4];
	s10 =	sadd.s32 s3, s19  }
0x1c: {  	s3 =	sadd.s32 s3, s5;
	s5 =	simm.s32 $0x200000;
	s19 =	simm.s32 $0x10000  }
0x1d: {  	s4 =	simm.s32 $0x2000;
	s0 =	sadd.s32 $0xFFFFFFFF, s26;
	s26 =	simm.s32 $0x3  }
0x1e: {  	[dreg:$0x10] =	wrdreg s0  }
0x1f: {  	[tilespmem:s28], [sflag:$0x4] =	stream.linear.gather [hbm4b:s1+s2], $0x2000, $0x38;
	[tilespmem:$0x1E000] =	vst v63  }
0x20: {  	s0 =	rddreg [dreg:$0x5]  }
0x21: {  	[tilespmem:s2], [sflag:$0x1] =	stream.strided.gather [hbm4b:s0+s4], $0x8000, s5, s4, $0x38;
	[tilespmem:$0x1E000] =	vst v63  }
0x22: {  	s1 =	rddreg [dreg:$0x6]  }
0x23: {  	[tilespmem:s22], [sflag:$0x5] =	stream.linear.gather [hbm4b:s1+s2], $0x2000, $0x38;
	[tilespmem:$0x1E000] =	vst v63  }
0x24: {  	s0 =	rddreg [dreg:$0x7]  }
0x25: {  	[tilespmem:s8], [sflag:$0x2] =	stream.strided.gather [hbm4b:s0+s4], $0x8000, s5, s4, $0x38;
	[tilespmem:$0x1E000] =	vst v63  }
0x26: {  	s1 =	rddreg [dreg:$0x8]  }
0x27: {  	[tilespmem:s31], [sflag:$0x6] =	stream.linear.gather [hbm4b:s1+s2], $0x2000, $0x38;
	[tilespmem:$0x1E000] =	vst v63  }
0x28: {  	s0 =	rddreg [dreg:$0x9]  }
0x29: {  	[tilespmem:s19], [sflag:$0x3] =	stream.strided.gather [hbm4b:s0+s4], $0x8000, s5, s4, $0x38;
	[tilespmem:$0x1E000] =	vst v63  }
0x2a: {  	_ =	swait.ge [sflag:s17], $0x2000  }
0x2b: {  	[sflag:s17] =	ssyncset.done $0x0  }
0x2c: {  	[sflag:s17] =	ssyncadd.s32 $0xFFFFE000  }
0x2d: {  	_ =	swait.ge [sflag:s15], $0x8000  }
0x2e: {  	[sflag:s15] =	ssyncset.done $0x0  }
0x2f: {  	s1 =	rddreg [dreg:$0xa];
	[sflag:s15] =	ssyncadd.s32 $0xFFFF8000  }
0x30: {  	[hbm4b:s1+s4] =	stream.strided.scatter [tilespmem:s2], [sflag:$0x7], $0x8000, s5, s4, $0x38;
	[tilespmem:$0x1E000] =	vst v63  }
0x31: {  	_ =	swait.ge [sflag:s6], $0x8000  }
0x32: {  	[sflag:s6] =	ssyncset.done $0x0  }
0x33: {  	s0 =	rddreg [dreg:$0xb];
	[sflag:s6] =	ssyncadd.s32 $0xFFFF8000  }
0x34: {  	[tilespmem:s28], [sflag:$0x4] =	stream.linear.gather [hbm4b:s0+s2], $0x2000, $0x38;
	[tilespmem:$0x1E000] =	vst v63  }
0x35: {  	s1 =	rddreg [dreg:$0xc]  }
0x36: {  	[tilespmem:s2], [sflag:$0x1] =	stream.strided.gather [hbm4b:s1+s4], $0x8000, s5, s4, $0x38;
	[tilespmem:$0x1E000] =	vst v63  }
0x37: {  	_ =	swait.ge [sflag:s16], $0x2000  }
0x38: {  	[sflag:s16] =	ssyncset.done $0x0  }
0x39: {  	[sflag:s16] =	ssyncadd.s32 $0xFFFFE000  }
0x3a: {  	_ =	swait.ge [sflag:s11], $0x8000  }
0x3b: {  	[sflag:s11] =	ssyncset.done $0x0  }
0x3c: {  	s1 =	rddreg [dreg:$0xd];
	[sflag:s11] =	ssyncadd.s32 $0xFFFF8000  }
0x3d: {  	[hbm4b:s1+s4] =	stream.strided.scatter [tilespmem:s8], [sflag:$0x8], $0x8000, s5, s4, $0x38;
	[tilespmem:$0x1E000] =	vst v63  }
0x3e: {  	_ =	swait.ge [sflag:s9], $0x8000  }
0x3f: {  	[sflag:s9] =	ssyncset.done $0x0  }
0x40: {  	s0 =	rddreg [dreg:$0xe];
	[sflag:s9] =	ssyncadd.s32 $0xFFFF8000  }
0x41: {  	[tilespmem:s22], [sflag:$0x5] =	stream.linear.gather [hbm4b:s0+s2], $0x2000, $0x38;
	[tilespmem:$0x1E000] =	vst v63  }
0x42: {  	s1 =	rddreg [dreg:$0xf]  }
0x43: {  	[tilespmem:s8], [sflag:$0x2] =	stream.strided.gather [hbm4b:s1+s4], $0x8000, s5, s4, $0x38;
	[tilespmem:$0x1E000] =	vst v63  }
0x44: {  	_ =	swait.ge [sflag:s29], $0x2000  }
0x45: {  	[sflag:s29] =	ssyncset.done $0x0  }
0x46: {  	[sflag:s29] =	ssyncadd.s32 $0xFFFFE000  }
0x47: {  	_ =	swait.ge [sflag:s26], $0x8000  }
0x48: {  	[sflag:s26] =	ssyncset.done $0x0  }
0x49: {  	[sflag:s26] =	ssyncadd.s32 $0xFFFF8000  }
0x4a: {  	[hbm4b:s30+s4] =	stream.strided.scatter [tilespmem:s19], [sflag:$0x9], $0x8000, s5, s4, $0x38;
	[tilespmem:$0x1E000] =	vst v63  }
0x4b: {  	_ =	swait.ge [sflag:s12], $0x8000  }
0x4c: {  	[sflag:s12] =	ssyncset.done $0x0  }
0x4d: {  	[sflag:s12] =	ssyncadd.s32 $0xFFFF8000  }
0x4e: {  	[tilespmem:s31], [sflag:$0x6] =	stream.linear.gather [hbm4b:s24+s2], $0x2000, $0x38;
	[tilespmem:$0x1E000] =	vst v63  }
0x4f: {  	_ = 	snop  }
0x50: {  	[tilespmem:s19], [sflag:$0x3] =	stream.strided.gather [hbm4b:s25+s4], $0x8000, s5, s4, $0x38;
	[tilespmem:$0x1E000] =	vst v63  }
0x51: {  	_ =	swait.ge [sflag:s17], $0x2000  }
0x52: {  	[sflag:s17] =	ssyncset.done $0x0  }
0x53: {  	[sflag:s17] =	ssyncadd.s32 $0xFFFFE000  }
0x54: {  	_ =	swait.ge [sflag:s15], $0x8000  }
0x55: {  	[sflag:s15] =	ssyncset.done $0x0  }
0x56: {  	[sflag:s15] =	ssyncadd.s32 $0xFFFF8000  }
0x57: {  	[hbm4b:s23+s4] =	stream.strided.scatter [tilespmem:s2], [sflag:$0x7], $0x8000, s5, s4, $0x38;
	[tilespmem:$0x1E000] =	vst v63  }
0x58: {  	_ =	swait.ge [sflag:s6], $0x8000  }
0x59: {  	[sflag:s6] =	ssyncset.done $0x0  }
0x5a: {  	[sflag:s6] =	ssyncadd.s32 $0xFFFF8000  }
0x5b: {  	[tilespmem:s28], [sflag:$0x4] =	stream.linear.gather [hbm4b:s20+s2], $0x2000, $0x38;
	[tilespmem:$0x1E000] =	vst v63  }
0x5c: {  	_ = 	snop  }
0x5d: {  	[tilespmem:s2], [sflag:$0x1] =	stream.strided.gather [hbm4b:s21+s4], $0x8000, s5, s4, $0x38;
	[tilespmem:$0x1E000] =	vst v63  }
0x5e: {  	_ =	swait.ge [sflag:s16], $0x2000  }
0x5f: {  	[sflag:s16] =	ssyncset.done $0x0  }
0x60: {  	[sflag:s16] =	ssyncadd.s32 $0xFFFFE000  }
0x61: {  	_ =	swait.ge [sflag:s11], $0x8000  }
0x62: {  	[sflag:s11] =	ssyncset.done $0x0  }
0x63: {  	[sflag:s11] =	ssyncadd.s32 $0xFFFF8000  }
0x64: {  	[hbm4b:s18+s4] =	stream.strided.scatter [tilespmem:s8], [sflag:$0x8], $0x8000, s5, s4, $0x38;
	[tilespmem:$0x1E000] =	vst v63  }
0x65: {  	_ =	swait.ge [sflag:s9], $0x8000  }
0x66: {  	[sflag:s9] =	ssyncset.done $0x0  }
0x67: {  	[sflag:s9] =	ssyncadd.s32 $0xFFFF8000  }
0x68: {  	[tilespmem:s22], [sflag:$0x5] =	stream.linear.gather [hbm4b:s13+s2], $0x2000, $0x38;
	[tilespmem:$0x1E000] =	vst v63  }
0x69: {  	_ = 	snop  }
0x6a: {  	[tilespmem:s8], [sflag:$0x2] =	stream.strided.gather [hbm4b:s14+s4], $0x8000, s5, s4, $0x38;
	[tilespmem:$0x1E000] =	vst v63  }
0x6b: {  	_ =	swait.ge [sflag:s29], $0x2000  }
0x6c: {  	[sflag:s29] =	ssyncset.done $0x0  }
0x6d: {  	[sflag:s29] =	ssyncadd.s32 $0xFFFFE000  }
0x6e: {  	_ =	swait.ge [sflag:s26], $0x8000  }
0x6f: {  	[sflag:s26] =	ssyncset.done $0x0  }
0x70: {  	[sflag:s26] =	ssyncadd.s32 $0xFFFF8000  }
0x71: {  	[hbm4b:s10+s4] =	stream.strided.scatter [tilespmem:s19], [sflag:$0x9], $0x8000, s5, s4, $0x38;
	[tilespmem:$0x1E000] =	vst v63  }
0x72: {  	_ =	swait.ge [sflag:s17], $0x2000  }
0x73: {  	[sflag:s17] =	ssyncset.done $0x0  }
0x74: {  	[sflag:s17] =	ssyncadd.s32 $0xFFFFE000  }
0x75: {  	_ =	swait.ge [sflag:s15], $0x8000  }
0x76: {  	[sflag:s15] =	ssyncset.done $0x0  }
0x77: {  	[sflag:s15] =	ssyncadd.s32 $0xFFFF8000  }
0x78: {  	[hbm4b:s7+s4] =	stream.strided.scatter [tilespmem:s2], [sflag:$0x7], $0x8000, s5, s4, $0x38;
	[tilespmem:$0x1E000] =	vst v63  }
0x79: {  	_ =	swait.ge [sflag:s16], $0x2000  }
0x7a: {  	[sflag:s16] =	ssyncset.done $0x0  }
0x7b: {  	[sflag:s16] =	ssyncadd.s32 $0xFFFFE000  }
0x7c: {  	_ =	swait.ge [sflag:s11], $0x8000  }
0x7d: {  	[sflag:s11] =	ssyncset.done $0x0  }
0x7e: {  	[sflag:s11] =	ssyncadd.s32 $0xFFFF8000  }
0x7f: {  	[hbm4b:s3+s4] =	stream.strided.scatter [tilespmem:s8], [sflag:$0x8], $0x8000, s5, s4, $0x38;
	[tilespmem:$0x1E000] =	vst v63  }
0x80: {  	_ =	swait.ge [sflag:s12], $0x8000  }
0x81: {  	[sflag:s12] =	ssyncset.done $0x0  }
0x82: {  	[sflag:s12] =	ssyncadd.s32 $0xFFFF8000  }
0x83: {  	_ =	swait.ge [sflag:s6], $0x8000  }
0x84: {  	s1 =	rddreg [dreg:$0x10]  }
0x85: {  	p1 =	sne.s32 s1, $0x1  }
.Ltmp1:
0x86: {  	_ = 	snop;
	(pc) =	sbr.rel @!p1 .LBB2_3-.Ltmp1, $4  }
0x87: {  	[sflag:s6] =	ssyncset.done $0x0  }
0x88: {  	[sflag:s6] =	ssyncadd.s32 $0xFFFF8000  }
0x89: {  	p0 =	por $0x1, $0x1;
	_ =	swait.ge [sflag:s9], $0x8000  }
0x8a: {  	s0 =	sadd.s32 $0xFFFFFFFF, s1;
	s1 =	rddreg [dreg:$0x4];
	[sflag:s9] =	ssyncset.done $0x0  }
.LBB2_2:
0x8b: {  	[sflag:s9] =	ssyncadd.s32 $0xFFFF8000;
	s19 =	simm.s32 $0x18000;
	s31 =	smov.u32 s30  }
0x8c: {  	s30 =	smov.u32 s25;
	s25 =	smov.u32 s24;
	s24 =	smov.u32 s23  }
0x8d: {  	s23 =	smov.u32 s21;
	s21 =	smov.u32 s20;
	s20 =	smov.u32 s18  }
0x8e: {  	s18 =	smov.u32 s14;
	s14 =	smov.u32 s13;
	s13 =	smov.u32 s10  }
0x8f: {  	[tilespmem:s19], [sflag:$0x4] =	stream.linear.gather [hbm4b:s1+s2], $0x2000, $0x38;
	[tilespmem:$0x1E000] =	vst v63  }
0x90: {  	s10 =	smov.u32 s7;
	s7 =	smov.u32 s3;
	s3 =	rddreg [dreg:$0x5]  }
0x91: {  	[tilespmem:s2], [sflag:$0x1] =	stream.strided.gather [hbm4b:s3+s4], $0x8000, s5, s4, $0x38;
	[tilespmem:$0x1E000] =	vst v63  }
0x92: {  	s28 =	simm.s32 $0x1A000;
	s1 =	rddreg [dreg:$0x6]  }
0x93: {  	[tilespmem:s28], [sflag:$0x5] =	stream.linear.gather [hbm4b:s1+s2], $0x2000, $0x38;
	[tilespmem:$0x1E000] =	vst v63  }
0x94: {  	s3 =	rddreg [dreg:$0x7]  }
0x95: {  	[tilespmem:s8], [sflag:$0x2] =	stream.strided.gather [hbm4b:s3+s4], $0x8000, s5, s4, $0x38;
	[tilespmem:$0x1E000] =	vst v63  }
0x96: {  	s22 =	simm.s32 $0x1C000;
	s1 =	rddreg [dreg:$0x8]  }
0x97: {  	[tilespmem:s22], [sflag:$0x6] =	stream.linear.gather [hbm4b:s1+s2], $0x2000, $0x38;
	[tilespmem:$0x1E000] =	vst v63  }
0x98: {  	s19 =	simm.s32 $0x10000;
	s3 =	rddreg [dreg:$0x9]  }
0x99: {  	[tilespmem:s19], [sflag:$0x3] =	stream.strided.gather [hbm4b:s3+s4], $0x8000, s5, s4, $0x38;
	[tilespmem:$0x1E000] =	vst v63  }
0x9a: {  	_ =	swait.ge [sflag:s17], $0x2000  }
0x9b: {  	[sflag:s17] =	ssyncset.done $0x0  }
0x9c: {  	[sflag:s17] =	ssyncadd.s32 $0xFFFFE000  }
0x9d: {  	_ =	swait.ge [sflag:s15], $0x8000  }
0x9e: {  	[sflag:s15] =	ssyncset.done $0x0  }
0x9f: {  	s3 =	rddreg [dreg:$0xa];
	[sflag:s15] =	ssyncadd.s32 $0xFFFF8000  }
0xa0: {  	[hbm4b:s3+s4] =	stream.strided.scatter [tilespmem:s2], [sflag:$0x7], $0x8000, s5, s4, $0x38;
	[tilespmem:$0x1E000] =	vst v63  }
0xa1: {  	_ =	swait.ge [sflag:s6], $0x8000  }
0xa2: {  	[sflag:s6] =	ssyncset.done $0x0  }
0xa3: {  	s28 =	simm.s32 $0x18000;
	s1 =	rddreg [dreg:$0xb];
	[sflag:s6] =	ssyncadd.s32 $0xFFFF8000  }
0xa4: {  	[tilespmem:s28], [sflag:$0x4] =	stream.linear.gather [hbm4b:s1+s2], $0x2000, $0x38;
	[tilespmem:$0x1E000] =	vst v63  }
0xa5: {  	s3 =	rddreg [dreg:$0xc]  }
0xa6: {  	[tilespmem:s2], [sflag:$0x1] =	stream.strided.gather [hbm4b:s3+s4], $0x8000, s5, s4, $0x38;
	[tilespmem:$0x1E000] =	vst v63  }
0xa7: {  	_ =	swait.ge [sflag:s16], $0x2000  }
0xa8: {  	[sflag:s16] =	ssyncset.done $0x0  }
0xa9: {  	[sflag:s16] =	ssyncadd.s32 $0xFFFFE000  }
0xaa: {  	_ =	swait.ge [sflag:s11], $0x8000  }
0xab: {  	[sflag:s11] =	ssyncset.done $0x0  }
0xac: {  	s3 =	rddreg [dreg:$0xd];
	[sflag:s11] =	ssyncadd.s32 $0xFFFF8000  }
0xad: {  	[hbm4b:s3+s4] =	stream.strided.scatter [tilespmem:s8], [sflag:$0x8], $0x8000, s5, s4, $0x38;
	[tilespmem:$0x1E000] =	vst v63  }
0xae: {  	_ =	swait.ge [sflag:s9], $0x8000  }
0xaf: {  	[sflag:s9] =	ssyncset.done $0x0  }
0xb0: {  	s22 =	simm.s32 $0x1A000;
	s1 =	rddreg [dreg:$0xe];
	[sflag:s9] =	ssyncadd.s32 $0xFFFF8000  }
0xb1: {  	[tilespmem:s22], [sflag:$0x5] =	stream.linear.gather [hbm4b:s1+s2], $0x2000, $0x38;
	[tilespmem:$0x1E000] =	vst v63  }
0xb2: {  	s3 =	rddreg [dreg:$0xf]  }
0xb3: {  	[tilespmem:s8], [sflag:$0x2] =	stream.strided.gather [hbm4b:s3+s4], $0x8000, s5, s4, $0x38;
	[tilespmem:$0x1E000] =	vst v63  }
0xb4: {  	s3 =	smov.u32 s7;
	s7 =	smov.u32 s10;
	_ =	swait.ge [sflag:s29], $0x2000  }
0xb5: {  	s10 =	smov.u32 s13;
	s13 =	smov.u32 s14;
	[sflag:s29] =	ssyncset.done $0x0  }
0xb6: {  	s14 =	smov.u32 s18;
	s18 =	smov.u32 s20;
	[sflag:s29] =	ssyncadd.s32 $0xFFFFE000  }
0xb7: {  	s20 =	smov.u32 s21;
	s21 =	smov.u32 s23;
	_ =	swait.ge [sflag:s26], $0x8000  }
0xb8: {  	s23 =	smov.u32 s24;
	s24 =	smov.u32 s25;
	[sflag:s26] =	ssyncset.done $0x0  }
0xb9: {  	s25 =	smov.u32 s30;
	s30 =	smov.u32 s31;
	[sflag:s26] =	ssyncadd.s32 $0xFFFF8000  }
0xba: {  	[hbm4b:s30+s4] =	stream.strided.scatter [tilespmem:s19], [sflag:$0x9], $0x8000, s5, s4, $0x38;
	[tilespmem:$0x1E000] =	vst v63  }
0xbb: {  	_ =	swait.ge [sflag:s12], $0x8000  }
0xbc: {  	[sflag:s12] =	ssyncset.done $0x0  }
0xbd: {  	s31 =	simm.s32 $0x1C000;
	[sflag:s12] =	ssyncadd.s32 $0xFFFF8000  }
0xbe: {  	[tilespmem:s31], [sflag:$0x6] =	stream.linear.gather [hbm4b:s24+s2], $0x2000, $0x38;
	[tilespmem:$0x1E000] =	vst v63  }
0xbf: {  	_ = 	snop  }
0xc0: {  	[tilespmem:s19], [sflag:$0x3] =	stream.strided.gather [hbm4b:s25+s4], $0x8000, s5, s4, $0x38;
	[tilespmem:$0x1E000] =	vst v63  }
0xc1: {  	_ =	swait.ge [sflag:s17], $0x2000  }
0xc2: {  	[sflag:s17] =	ssyncset.done $0x0  }
0xc3: {  	[sflag:s17] =	ssyncadd.s32 $0xFFFFE000  }
0xc4: {  	_ =	swait.ge [sflag:s15], $0x8000  }
0xc5: {  	[sflag:s15] =	ssyncset.done $0x0  }
0xc6: {  	[sflag:s15] =	ssyncadd.s32 $0xFFFF8000  }
0xc7: {  	[hbm4b:s23+s4] =	stream.strided.scatter [tilespmem:s2], [sflag:$0x7], $0x8000, s5, s4, $0x38;
	[tilespmem:$0x1E000] =	vst v63  }
0xc8: {  	_ =	swait.ge [sflag:s6], $0x8000  }
0xc9: {  	[sflag:s6] =	ssyncset.done $0x0  }
0xca: {  	[sflag:s6] =	ssyncadd.s32 $0xFFFF8000  }
0xcb: {  	[tilespmem:s28], [sflag:$0x4] =	stream.linear.gather [hbm4b:s20+s2], $0x2000, $0x38;
	[tilespmem:$0x1E000] =	vst v63  }
0xcc: {  	_ = 	snop  }
0xcd: {  	[tilespmem:s2], [sflag:$0x1] =	stream.strided.gather [hbm4b:s21+s4], $0x8000, s5, s4, $0x38;
	[tilespmem:$0x1E000] =	vst v63  }
0xce: {  	_ =	swait.ge [sflag:s16], $0x2000  }
0xcf: {  	[sflag:s16] =	ssyncset.done $0x0  }
0xd0: {  	[sflag:s16] =	ssyncadd.s32 $0xFFFFE000  }
0xd1: {  	_ =	swait.ge [sflag:s11], $0x8000  }
0xd2: {  	[sflag:s11] =	ssyncset.done $0x0  }
0xd3: {  	[sflag:s11] =	ssyncadd.s32 $0xFFFF8000  }
0xd4: {  	[hbm4b:s18+s4] =	stream.strided.scatter [tilespmem:s8], [sflag:$0x8], $0x8000, s5, s4, $0x38;
	[tilespmem:$0x1E000] =	vst v63  }
0xd5: {  	_ =	swait.ge [sflag:s9], $0x8000  }
0xd6: {  	[sflag:s9] =	ssyncset.done $0x0  }
0xd7: {  	[sflag:s9] =	ssyncadd.s32 $0xFFFF8000  }
0xd8: {  	[tilespmem:s22], [sflag:$0x5] =	stream.linear.gather [hbm4b:s13+s2], $0x2000, $0x38;
	[tilespmem:$0x1E000] =	vst v63  }
0xd9: {  	_ = 	snop  }
0xda: {  	[tilespmem:s8], [sflag:$0x2] =	stream.strided.gather [hbm4b:s14+s4], $0x8000, s5, s4, $0x38;
	[tilespmem:$0x1E000] =	vst v63  }
0xdb: {  	_ =	swait.ge [sflag:s29], $0x2000  }
0xdc: {  	[sflag:s29] =	ssyncset.done $0x0  }
0xdd: {  	[sflag:s29] =	ssyncadd.s32 $0xFFFFE000  }
0xde: {  	_ =	swait.ge [sflag:s26], $0x8000  }
0xdf: {  	[sflag:s26] =	ssyncset.done $0x0  }
0xe0: {  	[sflag:s26] =	ssyncadd.s32 $0xFFFF8000  }
0xe1: {  	[hbm4b:s10+s4] =	stream.strided.scatter [tilespmem:s19], [sflag:$0x9], $0x8000, s5, s4, $0x38;
	[tilespmem:$0x1E000] =	vst v63  }
0xe2: {  	_ =	swait.ge [sflag:s17], $0x2000  }
0xe3: {  	[sflag:s17] =	ssyncset.done $0x0  }
0xe4: {  	[sflag:s17] =	ssyncadd.s32 $0xFFFFE000  }
0xe5: {  	_ =	swait.ge [sflag:s15], $0x8000  }
0xe6: {  	[sflag:s15] =	ssyncset.done $0x0  }
0xe7: {  	[sflag:s15] =	ssyncadd.s32 $0xFFFF8000  }
0xe8: {  	[hbm4b:s7+s4] =	stream.strided.scatter [tilespmem:s2], [sflag:$0x7], $0x8000, s5, s4, $0x38;
	[tilespmem:$0x1E000] =	vst v63  }
0xe9: {  	_ =	swait.ge [sflag:s16], $0x2000  }
0xea: {  	[sflag:s16] =	ssyncset.done $0x0  }
0xeb: {  	[sflag:s16] =	ssyncadd.s32 $0xFFFFE000  }
0xec: {  	_ =	swait.ge [sflag:s11], $0x8000  }
0xed: {  	[sflag:s11] =	ssyncset.done $0x0  }
0xee: {  	[sflag:s11] =	ssyncadd.s32 $0xFFFF8000  }
0xef: {  	[hbm4b:s3+s4] =	stream.strided.scatter [tilespmem:s8], [sflag:$0x8], $0x8000, s5, s4, $0x38;
	[tilespmem:$0x1E000] =	vst v63  }
0xf0: {  	_ =	swait.ge [sflag:s12], $0x8000  }
0xf1: {  	[sflag:s12] =	ssyncset.done $0x0  }
0xf2: {  	p1 =	sne.s32 s0, $0x1;
	[sflag:s12] =	ssyncadd.s32 $0xFFFF8000  }
.Ltmp2:
0xf3: {  	_ =	swait.ge [sflag:s6], $0x8000;
	(pc) =	sbr.rel @p1 .LBB2_2-.Ltmp2, $4  }
0xf4: {  	[sflag:s6] =	ssyncset.done $0x0  }
0xf5: {  	[sflag:s6] =	ssyncadd.s32 $0xFFFF8000  }
0xf6: {  	_ =	swait.ge [sflag:s9], $0x8000  }
0xf7: {  	s0 =	sadd.s32 $0xFFFFFFFF, s0;
	s1 =	rddreg [dreg:$0x4];
	[sflag:s9] =	ssyncset.done $0x0  }
.LBB2_3:
0xf8: {  	[sflag:s9] =	ssyncadd.s32 @p0 $0xFFFF8000  }
0xf9: {  	[tilespmem:s28], [sflag:$0x4] =	stream.linear.gather [hbm4b:s1+s2], $0x2000, $0x38;
	[tilespmem:$0x1E000] =	vst v63  }
0xfa: {  	s0 =	rddreg [dreg:$0x5]  }
0xfb: {  	[tilespmem:s2], [sflag:$0x1] =	stream.strided.gather [hbm4b:s0+s4], $0x8000, s5, s4, $0x38;
	[tilespmem:$0x1E000] =	vst v63  }
0xfc: {  	s1 =	rddreg [dreg:$0x6]  }
0xfd: {  	[tilespmem:s22], [sflag:$0x5] =	stream.linear.gather [hbm4b:s1+s2], $0x2000, $0x38;
	[tilespmem:$0x1E000] =	vst v63  }
0xfe: {  	s0 =	rddreg [dreg:$0x7]  }
0xff: {  	[tilespmem:s8], [sflag:$0x2] =	stream.strided.gather [hbm4b:s0+s4], $0x8000, s5, s4, $0x38;
	[tilespmem:$0x1E000] =	vst v63  }
0x100: {  	s1 =	rddreg [dreg:$0x8]  }
0x101: {  	[tilespmem:s31], [sflag:$0x6] =	stream.linear.gather [hbm4b:s1+s2], $0x2000, $0x38;
	[tilespmem:$0x1E000] =	vst v63  }
0x102: {  	s0 =	rddreg [dreg:$0x9]  }
0x103: {  	[tilespmem:s19], [sflag:$0x3] =	stream.strided.gather [hbm4b:s0+s4], $0x8000, s5, s4, $0x38;
	[tilespmem:$0x1E000] =	vst v63  }
0x104: {  	_ =	swait.ge [sflag:s17], $0x2000  }
0x105: {  	[sflag:s17] =	ssyncset.done $0x0  }
0x106: {  	[sflag:s17] =	ssyncadd.s32 $0xFFFFE000  }
0x107: {  	_ =	swait.ge [sflag:s15], $0x8000  }
0x108: {  	[sflag:s15] =	ssyncset.done $0x0  }
0x109: {  	s1 =	rddreg [dreg:$0xa];
	[sflag:s15] =	ssyncadd.s32 $0xFFFF8000  }
0x10a: {  	[hbm4b:s1+s4] =	stream.strided.scatter [tilespmem:s2], [sflag:$0x7], $0x8000, s5, s4, $0x38;
	[tilespmem:$0x1E000] =	vst v63  }
0x10b: {  	_ =	swait.ge [sflag:s6], $0x8000  }
0x10c: {  	[sflag:s6] =	ssyncset.done $0x0  }
0x10d: {  	s0 =	rddreg [dreg:$0xb];
	[sflag:s6] =	ssyncadd.s32 $0xFFFF8000  }
0x10e: {  	[tilespmem:s28], [sflag:$0x4] =	stream.linear.gather [hbm4b:s0+s2], $0x2000, $0x38;
	[tilespmem:$0x1E000] =	vst v63  }
0x10f: {  	s1 =	rddreg [dreg:$0xc]  }
0x110: {  	[tilespmem:s2], [sflag:$0x1] =	stream.strided.gather [hbm4b:s1+s4], $0x8000, s5, s4, $0x38;
	[tilespmem:$0x1E000] =	vst v63  }
0x111: {  	_ =	swait.ge [sflag:s16], $0x2000  }
0x112: {  	[sflag:s16] =	ssyncset.done $0x0  }
0x113: {  	[sflag:s16] =	ssyncadd.s32 $0xFFFFE000  }
0x114: {  	_ =	swait.ge [sflag:s11], $0x8000  }
0x115: {  	[sflag:s11] =	ssyncset.done $0x0  }
0x116: {  	s1 =	rddreg [dreg:$0xd];
	[sflag:s11] =	ssyncadd.s32 $0xFFFF8000  }
0x117: {  	[hbm4b:s1+s4] =	stream.strided.scatter [tilespmem:s8], [sflag:$0x8], $0x8000, s5, s4, $0x38;
	[tilespmem:$0x1E000] =	vst v63  }
0x118: {  	_ =	swait.ge [sflag:s9], $0x8000  }
0x119: {  	[sflag:s9] =	ssyncset.done $0x0  }
0x11a: {  	s0 =	rddreg [dreg:$0xe];
	[sflag:s9] =	ssyncadd.s32 $0xFFFF8000  }
0x11b: {  	[tilespmem:s22], [sflag:$0x5] =	stream.linear.gather [hbm4b:s0+s2], $0x2000, $0x38;
	[tilespmem:$0x1E000] =	vst v63  }
0x11c: {  	s1 =	rddreg [dreg:$0xf]  }
0x11d: {  	[tilespmem:s8], [sflag:$0x2] =	stream.strided.gather [hbm4b:s1+s4], $0x8000, s5, s4, $0x38;
	[tilespmem:$0x1E000] =	vst v63  }
0x11e: {  	_ =	swait.ge [sflag:s29], $0x2000  }
0x11f: {  	[sflag:s29] =	ssyncset.done $0x0  }
0x120: {  	[sflag:s29] =	ssyncadd.s32 $0xFFFFE000  }
0x121: {  	_ =	swait.ge [sflag:s26], $0x8000  }
0x122: {  	[sflag:s26] =	ssyncset.done $0x0  }
0x123: {  	[sflag:s26] =	ssyncadd.s32 $0xFFFF8000  }
0x124: {  	[hbm4b:s30+s4] =	stream.strided.scatter [tilespmem:s19], [sflag:$0x9], $0x8000, s5, s4, $0x38;
	[tilespmem:$0x1E000] =	vst v63  }
0x125: {  	_ =	swait.ge [sflag:s12], $0x8000  }
0x126: {  	[sflag:s12] =	ssyncset.done $0x0  }
0x127: {  	[sflag:s12] =	ssyncadd.s32 $0xFFFF8000  }
0x128: {  	[tilespmem:s31], [sflag:$0x6] =	stream.linear.gather [hbm4b:s24+s2], $0x2000, $0x38;
	[tilespmem:$0x1E000] =	vst v63  }
0x129: {  	_ = 	snop  }
0x12a: {  	[tilespmem:s19], [sflag:$0x3] =	stream.strided.gather [hbm4b:s25+s4], $0x8000, s5, s4, $0x38;
	[tilespmem:$0x1E000] =	vst v63  }
0x12b: {  	_ =	swait.ge [sflag:s17], $0x2000  }
0x12c: {  	[sflag:s17] =	ssyncset.done $0x0  }
0x12d: {  	[sflag:s17] =	ssyncadd.s32 $0xFFFFE000  }
0x12e: {  	_ =	swait.ge [sflag:s15], $0x8000  }
0x12f: {  	[sflag:s15] =	ssyncset.done $0x0  }
0x130: {  	[sflag:s15] =	ssyncadd.s32 $0xFFFF8000  }
0x131: {  	[hbm4b:s23+s4] =	stream.strided.scatter [tilespmem:s2], [sflag:$0x7], $0x8000, s5, s4, $0x38;
	[tilespmem:$0x1E000] =	vst v63  }
0x132: {  	_ =	swait.ge [sflag:s6], $0x8000  }
0x133: {  	[sflag:s6] =	ssyncset.done $0x0  }
0x134: {  	[sflag:s6] =	ssyncadd.s32 $0xFFFF8000  }
0x135: {  	[tilespmem:s28], [sflag:$0x4] =	stream.linear.gather [hbm4b:s20+s2], $0x2000, $0x38;
	[tilespmem:$0x1E000] =	vst v63  }
0x136: {  	_ = 	snop  }
0x137: {  	[tilespmem:s2], [sflag:$0x1] =	stream.strided.gather [hbm4b:s21+s4], $0x8000, s5, s4, $0x38;
	[tilespmem:$0x1E000] =	vst v63  }
0x138: {  	_ =	swait.ge [sflag:s16], $0x2000  }
0x139: {  	[sflag:s16] =	ssyncset.done $0x0  }
0x13a: {  	[sflag:s16] =	ssyncadd.s32 $0xFFFFE000  }
0x13b: {  	_ =	swait.ge [sflag:s11], $0x8000  }
0x13c: {  	[sflag:s11] =	ssyncset.done $0x0  }
0x13d: {  	[sflag:s11] =	ssyncadd.s32 $0xFFFF8000  }
0x13e: {  	[hbm4b:s18+s4] =	stream.strided.scatter [tilespmem:s8], [sflag:$0x8], $0x8000, s5, s4, $0x38;
	[tilespmem:$0x1E000] =	vst v63  }
0x13f: {  	_ =	swait.ge [sflag:s9], $0x8000  }
0x140: {  	[sflag:s9] =	ssyncset.done $0x0  }
0x141: {  	[sflag:s9] =	ssyncadd.s32 $0xFFFF8000  }
0x142: {  	[tilespmem:s22], [sflag:$0x5] =	stream.linear.gather [hbm4b:s13+s2], $0x2000, $0x38;
	[tilespmem:$0x1E000] =	vst v63  }
0x143: {  	_ = 	snop  }
0x144: {  	[tilespmem:s8], [sflag:$0x2] =	stream.strided.gather [hbm4b:s14+s4], $0x8000, s5, s4, $0x38;
	[tilespmem:$0x1E000] =	vst v63  }
0x145: {  	_ =	swait.ge [sflag:s29], $0x2000  }
0x146: {  	[sflag:s29] =	ssyncset.done $0x0  }
0x147: {  	[sflag:s29] =	ssyncadd.s32 $0xFFFFE000  }
0x148: {  	_ =	swait.ge [sflag:s26], $0x8000  }
0x149: {  	[sflag:s26] =	ssyncset.done $0x0  }
0x14a: {  	[sflag:s26] =	ssyncadd.s32 $0xFFFF8000  }
0x14b: {  	[hbm4b:s10+s4] =	stream.strided.scatter [tilespmem:s19], [sflag:$0x9], $0x8000, s5, s4, $0x38;
	[tilespmem:$0x1E000] =	vst v63  }
0x14c: {  	_ =	swait.ge [sflag:s17], $0x2000  }
0x14d: {  	[sflag:s17] =	ssyncset.done $0x0  }
0x14e: {  	[sflag:s17] =	ssyncadd.s32 $0xFFFFE000  }
0x14f: {  	_ =	swait.ge [sflag:s15], $0x8000  }
0x150: {  	[sflag:s15] =	ssyncset.done $0x0  }
0x151: {  	[sflag:s15] =	ssyncadd.s32 $0xFFFF8000  }
0x152: {  	[hbm4b:s7+s4] =	stream.strided.scatter [tilespmem:s2], [sflag:$0x7], $0x8000, s5, s4, $0x38;
	[tilespmem:$0x1E000] =	vst v63  }
0x153: {  	_ =	swait.ge [sflag:s16], $0x2000  }
0x154: {  	[sflag:s16] =	ssyncset.done $0x0  }
0x155: {  	[sflag:s16] =	ssyncadd.s32 $0xFFFFE000  }
0x156: {  	_ =	swait.ge [sflag:s11], $0x8000  }
0x157: {  	[sflag:s11] =	ssyncset.done $0x0  }
0x158: {  	[sflag:s11] =	ssyncadd.s32 $0xFFFF8000  }
0x159: {  	[hbm4b:s3+s4] =	stream.strided.scatter [tilespmem:s8], [sflag:$0x8], $0x8000, s5, s4, $0x38;
	[tilespmem:$0x1E000] =	vst v63  }
0x15a: {  	_ =	swait.ge [sflag:s12], $0x8000  }
0x15b: {  	[sflag:s12] =	ssyncset.done $0x0  }
0x15c: {  	[sflag:s12] =	ssyncadd.s32 $0xFFFF8000  }
0x15d: {  	_ =	swait.ge [sflag:s6], $0x8000  }
0x15e: {  	[sflag:s6] =	ssyncset.done $0x0  }
0x15f: {  	[sflag:s6] =	ssyncadd.s32 $0xFFFF8000  }
0x160: {  	_ =	swait.ge [sflag:s9], $0x8000  }
0x161: {  	[sflag:s9] =	ssyncset.done $0x0  }
0x162: {  	[sflag:s9] =	ssyncadd.s32 $0xFFFF8000  }
0x163: {  	_ =	sfence.sel $0x180000  }
0x164: {  	[bflag:$0x0] =	sbarrier.arrive $0xFFFF  }
0x165: {  	_ =	strace $0x90000047  }
0x166: {  	s31 =	stileid.u32;
	[bflag:$0x2] =	sbarrier.arrive $0xFFFF  }
0x167: {  	p0 =	sne.s32 s31, $0x0;
	s0 =	rddreg [dreg:$0x3]  }
0x168: {  	s0 =	sadd.s32 @!p0 $0x100000, s0  }
0x169: {  	[sflag:s0] =	ssyncadd.tile.s32 @!p0 $0x1;
	_ =	shalt  }
.Lfunc_end2:
_tile_overlayer_lowered:
.L_overlay_start_2:
0x16a: {  	(tag) =	ssettag $0x2  }
0x16b: {  	s0 =	rddreg [dreg:$0x0];
	s2 =	stileid.u32  }
0x16c: {  	s1 =	rddreg [dreg:$0x1];
	p0 =	sne.s32 s2, $0x0  }
0x16d: {  	s3 =	rddreg [dreg:$0x2];
	[bflag:$0x3] =	sbarrier.arrive $0xFFFF;
	s2 =	simm.s32 @!p0 $0x1C0A  }
0x16e: {  	[timem:s3], [sflag:s2] =	dma.local @!p0 [hbm:s0], s1  }
0x16f: {  	s0 =	simm.s32 @!p0 $0xA  }
0x170: {  	_ =	swait.ge @!p0 [sflag:s0], s1  }
0x171: {  	s1 =	ssub.s32 @!p0 $0x0, s1;
	[sflag:s0] =	ssyncset.done @!p0 $0x0  }
0x172: {  	[sflag:s0] =	ssyncadd.s32 @!p0 s1  }
0x173: {  	[bflag:$0x3] =	sbarrier.arrive $0xFFFF  }
0x174: {  	_ =	shalt  }

</sc_bundles>
